<compile_context>
chip_gen: v7x
topology: tpu7x:2x2x1
jax: 0.10.2.dev20260603
libtpu: 0.0.44.dev20260713+nightly
codegen_flags: <defaults>
</compile_context>

<pallas_src>
import functools

import jax
import jax.numpy as jnp
from jax import lax
from jax.experimental import pallas as pl
from jax.experimental.pallas import tpu as pltpu
from jax.experimental.pallas import tpu_sc as plsc


def _shift_table_body(vp_ref, out_ref):
    for s in range(8):
        out_ref[s, :] = vp_ref[0, s : s + 8192]


def _build_v8(vp):
    return pl.pallas_call(
        _shift_table_body,
        out_shape=jax.ShapeDtypeStruct((8, 8192), jnp.float32),
    )(vp)


def _make_sc_expand(L, n_cores, n_subcores):
    n_workers = n_cores * n_subcores
    rows_per = L // n_workers
    chunk = 16
    n_chunks = rows_per // chunk
    K = L - 1

    @functools.partial(
        pl.kernel,
        mesh=plsc.VectorSubcoreMesh(core_axis_name="c", subcore_axis_name="s"),
        out_type=jax.ShapeDtypeStruct((L * L,), jnp.float32),
        scratch_types=[
            pltpu.VMEM((8 * 8192,), jnp.float32),
            pltpu.SemaphoreType.DMA,
        ],
    )
    def sc_expand(v8_hbm, out_hbm, v8_vmem, sem):
        wid = lax.axis_index("s") * n_cores + lax.axis_index("c")
        pltpu.sync_copy(v8_hbm, v8_vmem)
        base = wid * rows_per

        def do_chunk(c, carry):
            row0 = base + c * chunk
            handles = []
            for j in range(chunk):
                i = row0 + j
                start = K - i
                s_low = jnp.bitwise_and(start, 7)
                off = pl.multiple_of(s_low * 8192 + (start - s_low), 8)
                dst_off = pl.multiple_of(i * L, 8)
                handles.append(
                    pltpu.async_copy(
                        v8_vmem.at[pl.ds(off, L)],
                        out_hbm.at[pl.ds(dst_off, L)],
                        sem,
                    )
                )
            for h in handles:
                h.wait()
            return carry

        lax.fori_loop(0, 1, do_chunk, 0)

    return sc_expand


def kernel(seq_len, rel_bias_weight):
    num_emb = rel_bias_weight.shape[0]
    L = (num_emb + 1) // 2
    v = rel_bias_weight.reshape(num_emb)
    vp = jnp.zeros((1, 8320), jnp.float32).at[0, :num_emb].set(v)
    v8 = _build_v8(vp).reshape(8 * 8192)
    info = plsc.get_sparse_core_info()
    expand = _make_sc_expand(L, info.num_cores, info.num_subcores)
    return expand(v8).reshape(L, L)

# --- scband reference (transcript-rebuilt; emitter-appended) ---
"""Pipeline reference for scband-relative-position-bias-6167573037244 (READ-ONLY COPY).

The authoritative reference and input builder live on the scoring server;
editing this copy changes nothing except your own understanding.
"""

import jax, jax.numpy as jnp
import numpy as np

MAX_LEN = 4096
K = MAX_LEN - 1
NUM_EMB = 2 * K + 1

def setup_inputs(seed: int = 0) -> dict:
    key = jax.random.key(seed)
    rel_bias_weight = jax.random.normal(key, (NUM_EMB, 1), dtype=jnp.float32) * 0.02
    return {"seq_len": 4096, "rel_bias_weight": rel_bias_weight}

def reference(seq_len, rel_bias_weight):
    L = (rel_bias_weight.shape[0] + 1) // 2
    pos = jnp.arange(L) + (seq_len - L)
    rel = pos[None, :] - pos[:, None]
    rel = jnp.clip(rel, -K, K)
    idx = rel + K
    bias = jnp.take(rel_bias_weight, idx, axis=0)  # [L, L, 1]
    bias = jnp.squeeze(bias, axis=-1)
    return bias

if __name__ == "__main__":
    import jax
    _d = setup_inputs()
    print(jax.jit(kernel)(*tuple(_d.values())))

</pallas_src>

<mosaic_0001>
#map = affine_map<(d0, d1) -> (0)>
module attributes {stable_mosaic.version = 14 : i64} {
  func.func @sc_expand(%arg0: i32, %arg1: i32, %arg2: memref<65536xf32, #tpu.memory_space<hbm>>, %arg3: memref<16777216xf32, #tpu.memory_space<hbm>>, %arg4: memref<65536xf32, #tpu.memory_space<vmem>>, %arg5: memref<!tpu.dma_semaphore, #tpu.memory_space<semaphore_mem>>) attributes {dimension_semantics = [#tpu.dimension_semantics<core_parallel>, #tpu.dimension_semantics<subcore_parallel>], iteration_bounds = array<i64: 2, 16>, scalar_prefetch = 0 : i64, scratch_operands = 2 : i64, tpu.core_type = #tpu.core_type<sc_vector_subcore>, window_params = [{transform_indices = #map}, {transform_indices = #map}]} {
    %mul3A = arith.constant 2 : i32
    %mul3A_0 = arith.muli %arg1, %mul3A : i32
    %add3A = arith.addi %mul3A_0, %arg0 : i32
    "tpu.region"() ({
      %run_scoped3A = tpu.sem_alloc : memref<!tpu.dma_semaphore, #tpu.memory_space<semaphore_mem>>
      tpu.enqueue_dma source(%arg2 : memref<65536xf32, #tpu.memory_space<hbm>>) target(%arg4 : memref<65536xf32, #tpu.memory_space<vmem>>) target_semaphore(%run_scoped3A : memref<!tpu.dma_semaphore, #tpu.memory_space<semaphore_mem>>)
      tpu.wait_dma2 semaphore(%run_scoped3A : memref<!tpu.dma_semaphore, #tpu.memory_space<semaphore_mem>>) src(%arg2 : memref<65536xf32, #tpu.memory_space<hbm>>) dst(%arg4 : memref<65536xf32, #tpu.memory_space<vmem>>)
      tpu.yield
    }) : () -> ()
    %mul3A_1 = arith.constant 128 : i32
    %mul3A_2 = arith.muli %add3A, %mul3A_1 : i32
    %scan3A = arith.constant 0 : i32
    %scan3A_3 = arith.constant 0 : i32
    %mul3A_4 = arith.constant 16 : i32
    %mul3A_5 = arith.muli %scan3A_3, %mul3A_4 : i32
    %add3A_6 = arith.addi %mul3A_2, %mul3A_5 : i32
    %add3A_7 = arith.constant 0 : i32
    %add3A_8 = arith.addi %add3A_6, %add3A_7 : i32
    %sub3A = arith.constant 4095 : i32
    %sub3A_9 = arith.subi %sub3A, %add3A_8 : i32
    %and3A = arith.constant 7 : i32
    %and3A_10 = arith.andi %sub3A_9, %and3A : i32
    %mul3A_11 = arith.constant 8192 : i32
    %mul3A_12 = arith.muli %and3A_10, %mul3A_11 : i32
    %sub3A_13 = arith.subi %sub3A_9, %and3A_10 : i32
    %add3A_14 = arith.addi %mul3A_12, %sub3A_13 : i32
    %multiple_of3A = tpu.assume_multiple %add3A_14, 8 : i32
    %mul3A_15 = arith.constant 4096 : i32
    %mul3A_16 = arith.muli %add3A_8, %mul3A_15 : i32
    %multiple_of3A_17 = tpu.assume_multiple %mul3A_16, 8 : i32
    %dma_start3A = tpu.memref_slice %arg4[%multiple_of3A] : memref<65536xf32, #tpu.memory_space<vmem>> -> memref<4096xf32, #tpu.memory_space<vmem>>
    %dma_start3A_18 = tpu.memref_slice %arg3[%multiple_of3A_17] : memref<16777216xf32, #tpu.memory_space<hbm>> -> memref<4096xf32, #tpu.memory_space<hbm>>
    %dma_start3A_19 = tpu.memref_slice %arg3[%multiple_of3A_17] : memref<16777216xf32, #tpu.memory_space<hbm>> -> memref<4096xf32, #tpu.memory_space<hbm>>
    %dma_start3A_20 = tpu.memref_slice %arg4[%multiple_of3A] : memref<65536xf32, #tpu.memory_space<vmem>> -> memref<4096xf32, #tpu.memory_space<vmem>>
    tpu.enqueue_dma source(%dma_start3A_20 : memref<4096xf32, #tpu.memory_space<vmem>>) target(%dma_start3A_19 : memref<4096xf32, #tpu.memory_space<hbm>>) target_semaphore(%arg5 : memref<!tpu.dma_semaphore, #tpu.memory_space<semaphore_mem>>)
    %add3A_21 = arith.constant 1 : i32
    %add3A_22 = arith.addi %add3A_6, %add3A_21 : i32
    %sub3A_23 = arith.constant 4095 : i32
    %sub3A_24 = arith.subi %sub3A_23, %add3A_22 : i32
    %and3A_25 = arith.constant 7 : i32
    %and3A_26 = arith.andi %sub3A_24, %and3A_25 : i32
    %mul3A_27 = arith.constant 8192 : i32
    %mul3A_28 = arith.muli %and3A_26, %mul3A_27 : i32
    %sub3A_29 = arith.subi %sub3A_24, %and3A_26 : i32
    %add3A_30 = arith.addi %mul3A_28, %sub3A_29 : i32
    %multiple_of3A_31 = tpu.assume_multiple %add3A_30, 8 : i32
    %mul3A_32 = arith.constant 4096 : i32
    %mul3A_33 = arith.muli %add3A_22, %mul3A_32 : i32
    %multiple_of3A_34 = tpu.assume_multiple %mul3A_33, 8 : i32
    %dma_start3A_35 = tpu.memref_slice %arg4[%multiple_of3A_31] : memref<65536xf32, #tpu.memory_space<vmem>> -> memref<4096xf32, #tpu.memory_space<vmem>>
    %dma_start3A_36 = tpu.memref_slice %arg3[%multiple_of3A_34] : memref<16777216xf32, #tpu.memory_space<hbm>> -> memref<4096xf32, #tpu.memory_space<hbm>>
    %dma_start3A_37 = tpu.memref_slice %arg3[%multiple_of3A_34] : memref<16777216xf32, #tpu.memory_space<hbm>> -> memref<4096xf32, #tpu.memory_space<hbm>>
    %dma_start3A_38 = tpu.memref_slice %arg4[%multiple_of3A_31] : memref<65536xf32, #tpu.memory_space<vmem>> -> memref<4096xf32, #tpu.memory_space<vmem>>
    tpu.enqueue_dma source(%dma_start3A_38 : memref<4096xf32, #tpu.memory_space<vmem>>) target(%dma_start3A_37 : memref<4096xf32, #tpu.memory_space<hbm>>) target_semaphore(%arg5 : memref<!tpu.dma_semaphore, #tpu.memory_space<semaphore_mem>>)
    %add3A_39 = arith.constant 2 : i32
    %add3A_40 = arith.addi %add3A_6, %add3A_39 : i32
    %sub3A_41 = arith.constant 4095 : i32
    %sub3A_42 = arith.subi %sub3A_41, %add3A_40 : i32
    %and3A_43 = arith.constant 7 : i32
    %and3A_44 = arith.andi %sub3A_42, %and3A_43 : i32
    %mul3A_45 = arith.constant 8192 : i32
    %mul3A_46 = arith.muli %and3A_44, %mul3A_45 : i32
    %sub3A_47 = arith.subi %sub3A_42, %and3A_44 : i32
    %add3A_48 = arith.addi %mul3A_46, %sub3A_47 : i32
    %multiple_of3A_49 = tpu.assume_multiple %add3A_48, 8 : i32
    %mul3A_50 = arith.constant 4096 : i32
    %mul3A_51 = arith.muli %add3A_40, %mul3A_50 : i32
    %multiple_of3A_52 = tpu.assume_multiple %mul3A_51, 8 : i32
    %dma_start3A_53 = tpu.memref_slice %arg4[%multiple_of3A_49] : memref<65536xf32, #tpu.memory_space<vmem>> -> memref<4096xf32, #tpu.memory_space<vmem>>
    %dma_start3A_54 = tpu.memref_slice %arg3[%multiple_of3A_52] : memref<16777216xf32, #tpu.memory_space<hbm>> -> memref<4096xf32, #tpu.memory_space<hbm>>
    %dma_start3A_55 = tpu.memref_slice %arg3[%multiple_of3A_52] : memref<16777216xf32, #tpu.memory_space<hbm>> -> memref<4096xf32, #tpu.memory_space<hbm>>
    %dma_start3A_56 = tpu.memref_slice %arg4[%multiple_of3A_49] : memref<65536xf32, #tpu.memory_space<vmem>> -> memref<4096xf32, #tpu.memory_space<vmem>>
    tpu.enqueue_dma source(%dma_start3A_56 : memref<4096xf32, #tpu.memory_space<vmem>>) target(%dma_start3A_55 : memref<4096xf32, #tpu.memory_space<hbm>>) target_semaphore(%arg5 : memref<!tpu.dma_semaphore, #tpu.memory_space<semaphore_mem>>)
    %add3A_57 = arith.constant 3 : i32
    %add3A_58 = arith.addi %add3A_6, %add3A_57 : i32
    %sub3A_59 = arith.constant 4095 : i32
    %sub3A_60 = arith.subi %sub3A_59, %add3A_58 : i32
    %and3A_61 = arith.constant 7 : i32
    %and3A_62 = arith.andi %sub3A_60, %and3A_61 : i32
    %mul3A_63 = arith.constant 8192 : i32
    %mul3A_64 = arith.muli %and3A_62, %mul3A_63 : i32
    %sub3A_65 = arith.subi %sub3A_60, %and3A_62 : i32
    %add3A_66 = arith.addi %mul3A_64, %sub3A_65 : i32
    %multiple_of3A_67 = tpu.assume_multiple %add3A_66, 8 : i32
    %mul3A_68 = arith.constant 4096 : i32
    %mul3A_69 = arith.muli %add3A_58, %mul3A_68 : i32
    %multiple_of3A_70 = tpu.assume_multiple %mul3A_69, 8 : i32
    %dma_start3A_71 = tpu.memref_slice %arg4[%multiple_of3A_67] : memref<65536xf32, #tpu.memory_space<vmem>> -> memref<4096xf32, #tpu.memory_space<vmem>>
    %dma_start3A_72 = tpu.memref_slice %arg3[%multiple_of3A_70] : memref<16777216xf32, #tpu.memory_space<hbm>> -> memref<4096xf32, #tpu.memory_space<hbm>>
    %dma_start3A_73 = tpu.memref_slice %arg3[%multiple_of3A_70] : memref<16777216xf32, #tpu.memory_space<hbm>> -> memref<4096xf32, #tpu.memory_space<hbm>>
    %dma_start3A_74 = tpu.memref_slice %arg4[%multiple_of3A_67] : memref<65536xf32, #tpu.memory_space<vmem>> -> memref<4096xf32, #tpu.memory_space<vmem>>
    tpu.enqueue_dma source(%dma_start3A_74 : memref<4096xf32, #tpu.memory_space<vmem>>) target(%dma_start3A_73 : memref<4096xf32, #tpu.memory_space<hbm>>) target_semaphore(%arg5 : memref<!tpu.dma_semaphore, #tpu.memory_space<semaphore_mem>>)
    %add3A_75 = arith.constant 4 : i32
    %add3A_76 = arith.addi %add3A_6, %add3A_75 : i32
    %sub3A_77 = arith.constant 4095 : i32
    %sub3A_78 = arith.subi %sub3A_77, %add3A_76 : i32
    %and3A_79 = arith.constant 7 : i32
    %and3A_80 = arith.andi %sub3A_78, %and3A_79 : i32
    %mul3A_81 = arith.constant 8192 : i32
    %mul3A_82 = arith.muli %and3A_80, %mul3A_81 : i32
    %sub3A_83 = arith.subi %sub3A_78, %and3A_80 : i32
    %add3A_84 = arith.addi %mul3A_82, %sub3A_83 : i32
    %multiple_of3A_85 = tpu.assume_multiple %add3A_84, 8 : i32
    %mul3A_86 = arith.constant 4096 : i32
    %mul3A_87 = arith.muli %add3A_76, %mul3A_86 : i32
    %multiple_of3A_88 = tpu.assume_multiple %mul3A_87, 8 : i32
    %dma_start3A_89 = tpu.memref_slice %arg4[%multiple_of3A_85] : memref<65536xf32, #tpu.memory_space<vmem>> -> memref<4096xf32, #tpu.memory_space<vmem>>
    %dma_start3A_90 = tpu.memref_slice %arg3[%multiple_of3A_88] : memref<16777216xf32, #tpu.memory_space<hbm>> -> memref<4096xf32, #tpu.memory_space<hbm>>
    %dma_start3A_91 = tpu.memref_slice %arg3[%multiple_of3A_88] : memref<16777216xf32, #tpu.memory_space<hbm>> -> memref<4096xf32, #tpu.memory_space<hbm>>
    %dma_start3A_92 = tpu.memref_slice %arg4[%multiple_of3A_85] : memref<65536xf32, #tpu.memory_space<vmem>> -> memref<4096xf32, #tpu.memory_space<vmem>>
    tpu.enqueue_dma source(%dma_start3A_92 : memref<4096xf32, #tpu.memory_space<vmem>>) target(%dma_start3A_91 : memref<4096xf32, #tpu.memory_space<hbm>>) target_semaphore(%arg5 : memref<!tpu.dma_semaphore, #tpu.memory_space<semaphore_mem>>)
    %add3A_93 = arith.constant 5 : i32
    %add3A_94 = arith.addi %add3A_6, %add3A_93 : i32
    %sub3A_95 = arith.constant 4095 : i32
    %sub3A_96 = arith.subi %sub3A_95, %add3A_94 : i32
    %and3A_97 = arith.constant 7 : i32
    %and3A_98 = arith.andi %sub3A_96, %and3A_97 : i32
    %mul3A_99 = arith.constant 8192 : i32
    %mul3A_100 = arith.muli %and3A_98, %mul3A_99 : i32
    %sub3A_101 = arith.subi %sub3A_96, %and3A_98 : i32
    %add3A_102 = arith.addi %mul3A_100, %sub3A_101 : i32
    %multiple_of3A_103 = tpu.assume_multiple %add3A_102, 8 : i32
    %mul3A_104 = arith.constant 4096 : i32
    %mul3A_105 = arith.muli %add3A_94, %mul3A_104 : i32
    %multiple_of3A_106 = tpu.assume_multiple %mul3A_105, 8 : i32
    %dma_start3A_107 = tpu.memref_slice %arg4[%multiple_of3A_103] : memref<65536xf32, #tpu.memory_space<vmem>> -> memref<4096xf32, #tpu.memory_space<vmem>>
    %dma_start3A_108 = tpu.memref_slice %arg3[%multiple_of3A_106] : memref<16777216xf32, #tpu.memory_space<hbm>> -> memref<4096xf32, #tpu.memory_space<hbm>>
    %dma_start3A_109 = tpu.memref_slice %arg3[%multiple_of3A_106] : memref<16777216xf32, #tpu.memory_space<hbm>> -> memref<4096xf32, #tpu.memory_space<hbm>>
    %dma_start3A_110 = tpu.memref_slice %arg4[%multiple_of3A_103] : memref<65536xf32, #tpu.memory_space<vmem>> -> memref<4096xf32, #tpu.memory_space<vmem>>
    tpu.enqueue_dma source(%dma_start3A_110 : memref<4096xf32, #tpu.memory_space<vmem>>) target(%dma_start3A_109 : memref<4096xf32, #tpu.memory_space<hbm>>) target_semaphore(%arg5 : memref<!tpu.dma_semaphore, #tpu.memory_space<semaphore_mem>>)
    %add3A_111 = arith.constant 6 : i32
    %add3A_112 = arith.addi %add3A_6, %add3A_111 : i32
    %sub3A_113 = arith.constant 4095 : i32
    %sub3A_114 = arith.subi %sub3A_113, %add3A_112 : i32
    %and3A_115 = arith.constant 7 : i32
    %and3A_116 = arith.andi %sub3A_114, %and3A_115 : i32
    %mul3A_117 = arith.constant 8192 : i32
    %mul3A_118 = arith.muli %and3A_116, %mul3A_117 : i32
    %sub3A_119 = arith.subi %sub3A_114, %and3A_116 : i32
    %add3A_120 = arith.addi %mul3A_118, %sub3A_119 : i32
    %multiple_of3A_121 = tpu.assume_multiple %add3A_120, 8 : i32
    %mul3A_122 = arith.constant 4096 : i32
    %mul3A_123 = arith.muli %add3A_112, %mul3A_122 : i32
    %multiple_of3A_124 = tpu.assume_multiple %mul3A_123, 8 : i32
    %dma_start3A_125 = tpu.memref_slice %arg4[%multiple_of3A_121] : memref<65536xf32, #tpu.memory_space<vmem>> -> memref<4096xf32, #tpu.memory_space<vmem>>
    %dma_start3A_126 = tpu.memref_slice %arg3[%multiple_of3A_124] : memref<16777216xf32, #tpu.memory_space<hbm>> -> memref<4096xf32, #tpu.memory_space<hbm>>
    %dma_start3A_127 = tpu.memref_slice %arg3[%multiple_of3A_124] : memref<16777216xf32, #tpu.memory_space<hbm>> -> memref<4096xf32, #tpu.memory_space<hbm>>
    %dma_start3A_128 = tpu.memref_slice %arg4[%multiple_of3A_121] : memref<65536xf32, #tpu.memory_space<vmem>> -> memref<4096xf32, #tpu.memory_space<vmem>>
    tpu.enqueue_dma source(%dma_start3A_128 : memref<4096xf32, #tpu.memory_space<vmem>>) target(%dma_start3A_127 : memref<4096xf32, #tpu.memory_space<hbm>>) target_semaphore(%arg5 : memref<!tpu.dma_semaphore, #tpu.memory_space<semaphore_mem>>)
    %add3A_129 = arith.constant 7 : i32
    %add3A_130 = arith.addi %add3A_6, %add3A_129 : i32
    %sub3A_131 = arith.constant 4095 : i32
    %sub3A_132 = arith.subi %sub3A_131, %add3A_130 : i32
    %and3A_133 = arith.constant 7 : i32
    %and3A_134 = arith.andi %sub3A_132, %and3A_133 : i32
    %mul3A_135 = arith.constant 8192 : i32
    %mul3A_136 = arith.muli %and3A_134, %mul3A_135 : i32
    %sub3A_137 = arith.subi %sub3A_132, %and3A_134 : i32
    %add3A_138 = arith.addi %mul3A_136, %sub3A_137 : i32
    %multiple_of3A_139 = tpu.assume_multiple %add3A_138, 8 : i32
    %mul3A_140 = arith.constant 4096 : i32
    %mul3A_141 = arith.muli %add3A_130, %mul3A_140 : i32
    %multiple_of3A_142 = tpu.assume_multiple %mul3A_141, 8 : i32
    %dma_start3A_143 = tpu.memref_slice %arg4[%multiple_of3A_139] : memref<65536xf32, #tpu.memory_space<vmem>> -> memref<4096xf32, #tpu.memory_space<vmem>>
    %dma_start3A_144 = tpu.memref_slice %arg3[%multiple_of3A_142] : memref<16777216xf32, #tpu.memory_space<hbm>> -> memref<4096xf32, #tpu.memory_space<hbm>>
    %dma_start3A_145 = tpu.memref_slice %arg3[%multiple_of3A_142] : memref<16777216xf32, #tpu.memory_space<hbm>> -> memref<4096xf32, #tpu.memory_space<hbm>>
    %dma_start3A_146 = tpu.memref_slice %arg4[%multiple_of3A_139] : memref<65536xf32, #tpu.memory_space<vmem>> -> memref<4096xf32, #tpu.memory_space<vmem>>
    tpu.enqueue_dma source(%dma_start3A_146 : memref<4096xf32, #tpu.memory_space<vmem>>) target(%dma_start3A_145 : memref<4096xf32, #tpu.memory_space<hbm>>) target_semaphore(%arg5 : memref<!tpu.dma_semaphore, #tpu.memory_space<semaphore_mem>>)
    %add3A_147 = arith.constant 8 : i32
    %add3A_148 = arith.addi %add3A_6, %add3A_147 : i32
    %sub3A_149 = arith.constant 4095 : i32
    %sub3A_150 = arith.subi %sub3A_149, %add3A_148 : i32
    %and3A_151 = arith.constant 7 : i32
    %and3A_152 = arith.andi %sub3A_150, %and3A_151 : i32
    %mul3A_153 = arith.constant 8192 : i32
    %mul3A_154 = arith.muli %and3A_152, %mul3A_153 : i32
    %sub3A_155 = arith.subi %sub3A_150, %and3A_152 : i32
    %add3A_156 = arith.addi %mul3A_154, %sub3A_155 : i32
    %multiple_of3A_157 = tpu.assume_multiple %add3A_156, 8 : i32
    %mul3A_158 = arith.constant 4096 : i32
    %mul3A_159 = arith.muli %add3A_148, %mul3A_158 : i32
    %multiple_of3A_160 = tpu.assume_multiple %mul3A_159, 8 : i32
    %dma_start3A_161 = tpu.memref_slice %arg4[%multiple_of3A_157] : memref<65536xf32, #tpu.memory_space<vmem>> -> memref<4096xf32, #tpu.memory_space<vmem>>
    %dma_start3A_162 = tpu.memref_slice %arg3[%multiple_of3A_160] : memref<16777216xf32, #tpu.memory_space<hbm>> -> memref<4096xf32, #tpu.memory_space<hbm>>
    %dma_start3A_163 = tpu.memref_slice %arg3[%multiple_of3A_160] : memref<16777216xf32, #tpu.memory_space<hbm>> -> memref<4096xf32, #tpu.memory_space<hbm>>
    %dma_start3A_164 = tpu.memref_slice %arg4[%multiple_of3A_157] : memref<65536xf32, #tpu.memory_space<vmem>> -> memref<4096xf32, #tpu.memory_space<vmem>>
    tpu.enqueue_dma source(%dma_start3A_164 : memref<4096xf32, #tpu.memory_space<vmem>>) target(%dma_start3A_163 : memref<4096xf32, #tpu.memory_space<hbm>>) target_semaphore(%arg5 : memref<!tpu.dma_semaphore, #tpu.memory_space<semaphore_mem>>)
    %add3A_165 = arith.constant 9 : i32
    %add3A_166 = arith.addi %add3A_6, %add3A_165 : i32
    %sub3A_167 = arith.constant 4095 : i32
    %sub3A_168 = arith.subi %sub3A_167, %add3A_166 : i32
    %and3A_169 = arith.constant 7 : i32
    %and3A_170 = arith.andi %sub3A_168, %and3A_169 : i32
    %mul3A_171 = arith.constant 8192 : i32
    %mul3A_172 = arith.muli %and3A_170, %mul3A_171 : i32
    %sub3A_173 = arith.subi %sub3A_168, %and3A_170 : i32
    %add3A_174 = arith.addi %mul3A_172, %sub3A_173 : i32
    %multiple_of3A_175 = tpu.assume_multiple %add3A_174, 8 : i32
    %mul3A_176 = arith.constant 4096 : i32
    %mul3A_177 = arith.muli %add3A_166, %mul3A_176 : i32
    %multiple_of3A_178 = tpu.assume_multiple %mul3A_177, 8 : i32
    %dma_start3A_179 = tpu.memref_slice %arg4[%multiple_of3A_175] : memref<65536xf32, #tpu.memory_space<vmem>> -> memref<4096xf32, #tpu.memory_space<vmem>>
    %dma_start3A_180 = tpu.memref_slice %arg3[%multiple_of3A_178] : memref<16777216xf32, #tpu.memory_space<hbm>> -> memref<4096xf32, #tpu.memory_space<hbm>>
    %dma_start3A_181 = tpu.memref_slice %arg3[%multiple_of3A_178] : memref<16777216xf32, #tpu.memory_space<hbm>> -> memref<4096xf32, #tpu.memory_space<hbm>>
    %dma_start3A_182 = tpu.memref_slice %arg4[%multiple_of3A_175] : memref<65536xf32, #tpu.memory_space<vmem>> -> memref<4096xf32, #tpu.memory_space<vmem>>
    tpu.enqueue_dma source(%dma_start3A_182 : memref<4096xf32, #tpu.memory_space<vmem>>) target(%dma_start3A_181 : memref<4096xf32, #tpu.memory_space<hbm>>) target_semaphore(%arg5 : memref<!tpu.dma_semaphore, #tpu.memory_space<semaphore_mem>>)
    %add3A_183 = arith.constant 10 : i32
    %add3A_184 = arith.addi %add3A_6, %add3A_183 : i32
    %sub3A_185 = arith.constant 4095 : i32
    %sub3A_186 = arith.subi %sub3A_185, %add3A_184 : i32
    %and3A_187 = arith.constant 7 : i32
    %and3A_188 = arith.andi %sub3A_186, %and3A_187 : i32
    %mul3A_189 = arith.constant 8192 : i32
    %mul3A_190 = arith.muli %and3A_188, %mul3A_189 : i32
    %sub3A_191 = arith.subi %sub3A_186, %and3A_188 : i32
    %add3A_192 = arith.addi %mul3A_190, %sub3A_191 : i32
    %multiple_of3A_193 = tpu.assume_multiple %add3A_192, 8 : i32
    %mul3A_194 = arith.constant 4096 : i32
    %mul3A_195 = arith.muli %add3A_184, %mul3A_194 : i32
    %multiple_of3A_196 = tpu.assume_multiple %mul3A_195, 8 : i32
    %dma_start3A_197 = tpu.memref_slice %arg4[%multiple_of3A_193] : memref<65536xf32, #tpu.memory_space<vmem>> -> memref<4096xf32, #tpu.memory_space<vmem>>
    %dma_start3A_198 = tpu.memref_slice %arg3[%multiple_of3A_196] : memref<16777216xf32, #tpu.memory_space<hbm>> -> memref<4096xf32, #tpu.memory_space<hbm>>
    %dma_start3A_199 = tpu.memref_slice %arg3[%multiple_of3A_196] : memref<16777216xf32, #tpu.memory_space<hbm>> -> memref<4096xf32, #tpu.memory_space<hbm>>
    %dma_start3A_200 = tpu.memref_slice %arg4[%multiple_of3A_193] : memref<65536xf32, #tpu.memory_space<vmem>> -> memref<4096xf32, #tpu.memory_space<vmem>>
    tpu.enqueue_dma source(%dma_start3A_200 : memref<4096xf32, #tpu.memory_space<vmem>>) target(%dma_start3A_199 : memref<4096xf32, #tpu.memory_space<hbm>>) target_semaphore(%arg5 : memref<!tpu.dma_semaphore, #tpu.memory_space<semaphore_mem>>)
    %add3A_201 = arith.constant 11 : i32
    %add3A_202 = arith.addi %add3A_6, %add3A_201 : i32
    %sub3A_203 = arith.constant 4095 : i32
    %sub3A_204 = arith.subi %sub3A_203, %add3A_202 : i32
    %and3A_205 = arith.constant 7 : i32
    %and3A_206 = arith.andi %sub3A_204, %and3A_205 : i32
    %mul3A_207 = arith.constant 8192 : i32
    %mul3A_208 = arith.muli %and3A_206, %mul3A_207 : i32
    %sub3A_209 = arith.subi %sub3A_204, %and3A_206 : i32
    %add3A_210 = arith.addi %mul3A_208, %sub3A_209 : i32
    %multiple_of3A_211 = tpu.assume_multiple %add3A_210, 8 : i32
    %mul3A_212 = arith.constant 4096 : i32
    %mul3A_213 = arith.muli %add3A_202, %mul3A_212 : i32
    %multiple_of3A_214 = tpu.assume_multiple %mul3A_213, 8 : i32
    %dma_start3A_215 = tpu.memref_slice %arg4[%multiple_of3A_211] : memref<65536xf32, #tpu.memory_space<vmem>> -> memref<4096xf32, #tpu.memory_space<vmem>>
    %dma_start3A_216 = tpu.memref_slice %arg3[%multiple_of3A_214] : memref<16777216xf32, #tpu.memory_space<hbm>> -> memref<4096xf32, #tpu.memory_space<hbm>>
    %dma_start3A_217 = tpu.memref_slice %arg3[%multiple_of3A_214] : memref<16777216xf32, #tpu.memory_space<hbm>> -> memref<4096xf32, #tpu.memory_space<hbm>>
    %dma_start3A_218 = tpu.memref_slice %arg4[%multiple_of3A_211] : memref<65536xf32, #tpu.memory_space<vmem>> -> memref<4096xf32, #tpu.memory_space<vmem>>
    tpu.enqueue_dma source(%dma_start3A_218 : memref<4096xf32, #tpu.memory_space<vmem>>) target(%dma_start3A_217 : memref<4096xf32, #tpu.memory_space<hbm>>) target_semaphore(%arg5 : memref<!tpu.dma_semaphore, #tpu.memory_space<semaphore_mem>>)
    %add3A_219 = arith.constant 12 : i32
    %add3A_220 = arith.addi %add3A_6, %add3A_219 : i32
    %sub3A_221 = arith.constant 4095 : i32
    %sub3A_222 = arith.subi %sub3A_221, %add3A_220 : i32
    %and3A_223 = arith.constant 7 : i32
    %and3A_224 = arith.andi %sub3A_222, %and3A_223 : i32
    %mul3A_225 = arith.constant 8192 : i32
    %mul3A_226 = arith.muli %and3A_224, %mul3A_225 : i32
    %sub3A_227 = arith.subi %sub3A_222, %and3A_224 : i32
    %add3A_228 = arith.addi %mul3A_226, %sub3A_227 : i32
    %multiple_of3A_229 = tpu.assume_multiple %add3A_228, 8 : i32
    %mul3A_230 = arith.constant 4096 : i32
    %mul3A_231 = arith.muli %add3A_220, %mul3A_230 : i32
    %multiple_of3A_232 = tpu.assume_multiple %mul3A_231, 8 : i32
    %dma_start3A_233 = tpu.memref_slice %arg4[%multiple_of3A_229] : memref<65536xf32, #tpu.memory_space<vmem>> -> memref<4096xf32, #tpu.memory_space<vmem>>
    %dma_start3A_234 = tpu.memref_slice %arg3[%multiple_of3A_232] : memref<16777216xf32, #tpu.memory_space<hbm>> -> memref<4096xf32, #tpu.memory_space<hbm>>
    %dma_start3A_235 = tpu.memref_slice %arg3[%multiple_of3A_232] : memref<16777216xf32, #tpu.memory_space<hbm>> -> memref<4096xf32, #tpu.memory_space<hbm>>
    %dma_start3A_236 = tpu.memref_slice %arg4[%multiple_of3A_229] : memref<65536xf32, #tpu.memory_space<vmem>> -> memref<4096xf32, #tpu.memory_space<vmem>>
    tpu.enqueue_dma source(%dma_start3A_236 : memref<4096xf32, #tpu.memory_space<vmem>>) target(%dma_start3A_235 : memref<4096xf32, #tpu.memory_space<hbm>>) target_semaphore(%arg5 : memref<!tpu.dma_semaphore, #tpu.memory_space<semaphore_mem>>)
    %add3A_237 = arith.constant 13 : i32
    %add3A_238 = arith.addi %add3A_6, %add3A_237 : i32
    %sub3A_239 = arith.constant 4095 : i32
    %sub3A_240 = arith.subi %sub3A_239, %add3A_238 : i32
    %and3A_241 = arith.constant 7 : i32
    %and3A_242 = arith.andi %sub3A_240, %and3A_241 : i32
    %mul3A_243 = arith.constant 8192 : i32
    %mul3A_244 = arith.muli %and3A_242, %mul3A_243 : i32
    %sub3A_245 = arith.subi %sub3A_240, %and3A_242 : i32
    %add3A_246 = arith.addi %mul3A_244, %sub3A_245 : i32
    %multiple_of3A_247 = tpu.assume_multiple %add3A_246, 8 : i32
    %mul3A_248 = arith.constant 4096 : i32
    %mul3A_249 = arith.muli %add3A_238, %mul3A_248 : i32
    %multiple_of3A_250 = tpu.assume_multiple %mul3A_249, 8 : i32
    %dma_start3A_251 = tpu.memref_slice %arg4[%multiple_of3A_247] : memref<65536xf32, #tpu.memory_space<vmem>> -> memref<4096xf32, #tpu.memory_space<vmem>>
    %dma_start3A_252 = tpu.memref_slice %arg3[%multiple_of3A_250] : memref<16777216xf32, #tpu.memory_space<hbm>> -> memref<4096xf32, #tpu.memory_space<hbm>>
    %dma_start3A_253 = tpu.memref_slice %arg3[%multiple_of3A_250] : memref<16777216xf32, #tpu.memory_space<hbm>> -> memref<4096xf32, #tpu.memory_space<hbm>>
    %dma_start3A_254 = tpu.memref_slice %arg4[%multiple_of3A_247] : memref<65536xf32, #tpu.memory_space<vmem>> -> memref<4096xf32, #tpu.memory_space<vmem>>
    tpu.enqueue_dma source(%dma_start3A_254 : memref<4096xf32, #tpu.memory_space<vmem>>) target(%dma_start3A_253 : memref<4096xf32, #tpu.memory_space<hbm>>) target_semaphore(%arg5 : memref<!tpu.dma_semaphore, #tpu.memory_space<semaphore_mem>>)
    %add3A_255 = arith.constant 14 : i32
    %add3A_256 = arith.addi %add3A_6, %add3A_255 : i32
    %sub3A_257 = arith.constant 4095 : i32
    %sub3A_258 = arith.subi %sub3A_257, %add3A_256 : i32
    %and3A_259 = arith.constant 7 : i32
    %and3A_260 = arith.andi %sub3A_258, %and3A_259 : i32
    %mul3A_261 = arith.constant 8192 : i32
    %mul3A_262 = arith.muli %and3A_260, %mul3A_261 : i32
    %sub3A_263 = arith.subi %sub3A_258, %and3A_260 : i32
    %add3A_264 = arith.addi %mul3A_262, %sub3A_263 : i32
    %multiple_of3A_265 = tpu.assume_multiple %add3A_264, 8 : i32
    %mul3A_266 = arith.constant 4096 : i32
    %mul3A_267 = arith.muli %add3A_256, %mul3A_266 : i32
    %multiple_of3A_268 = tpu.assume_multiple %mul3A_267, 8 : i32
    %dma_start3A_269 = tpu.memref_slice %arg4[%multiple_of3A_265] : memref<65536xf32, #tpu.memory_space<vmem>> -> memref<4096xf32, #tpu.memory_space<vmem>>
    %dma_start3A_270 = tpu.memref_slice %arg3[%multiple_of3A_268] : memref<16777216xf32, #tpu.memory_space<hbm>> -> memref<4096xf32, #tpu.memory_space<hbm>>
    %dma_start3A_271 = tpu.memref_slice %arg3[%multiple_of3A_268] : memref<16777216xf32, #tpu.memory_space<hbm>> -> memref<4096xf32, #tpu.memory_space<hbm>>
    %dma_start3A_272 = tpu.memref_slice %arg4[%multiple_of3A_265] : memref<65536xf32, #tpu.memory_space<vmem>> -> memref<4096xf32, #tpu.memory_space<vmem>>
    tpu.enqueue_dma source(%dma_start3A_272 : memref<4096xf32, #tpu.memory_space<vmem>>) target(%dma_start3A_271 : memref<4096xf32, #tpu.memory_space<hbm>>) target_semaphore(%arg5 : memref<!tpu.dma_semaphore, #tpu.memory_space<semaphore_mem>>)
    %add3A_273 = arith.constant 15 : i32
    %add3A_274 = arith.addi %add3A_6, %add3A_273 : i32
    %sub3A_275 = arith.constant 4095 : i32
    %sub3A_276 = arith.subi %sub3A_275, %add3A_274 : i32
    %and3A_277 = arith.constant 7 : i32
    %and3A_278 = arith.andi %sub3A_276, %and3A_277 : i32
    %mul3A_279 = arith.constant 8192 : i32
    %mul3A_280 = arith.muli %and3A_278, %mul3A_279 : i32
    %sub3A_281 = arith.subi %sub3A_276, %and3A_278 : i32
    %add3A_282 = arith.addi %mul3A_280, %sub3A_281 : i32
    %multiple_of3A_283 = tpu.assume_multiple %add3A_282, 8 : i32
    %mul3A_284 = arith.constant 4096 : i32
    %mul3A_285 = arith.muli %add3A_274, %mul3A_284 : i32
    %multiple_of3A_286 = tpu.assume_multiple %mul3A_285, 8 : i32
    %dma_start3A_287 = tpu.memref_slice %arg4[%multiple_of3A_283] : memref<65536xf32, #tpu.memory_space<vmem>> -> memref<4096xf32, #tpu.memory_space<vmem>>
    %dma_start3A_288 = tpu.memref_slice %arg3[%multiple_of3A_286] : memref<16777216xf32, #tpu.memory_space<hbm>> -> memref<4096xf32, #tpu.memory_space<hbm>>
    %dma_start3A_289 = tpu.memref_slice %arg3[%multiple_of3A_286] : memref<16777216xf32, #tpu.memory_space<hbm>> -> memref<4096xf32, #tpu.memory_space<hbm>>
    %dma_start3A_290 = tpu.memref_slice %arg4[%multiple_of3A_283] : memref<65536xf32, #tpu.memory_space<vmem>> -> memref<4096xf32, #tpu.memory_space<vmem>>
    tpu.enqueue_dma source(%dma_start3A_290 : memref<4096xf32, #tpu.memory_space<vmem>>) target(%dma_start3A_289 : memref<4096xf32, #tpu.memory_space<hbm>>) target_semaphore(%arg5 : memref<!tpu.dma_semaphore, #tpu.memory_space<semaphore_mem>>)
    %dma_wait3A = tpu.memref_slice %arg4[%multiple_of3A] : memref<65536xf32, #tpu.memory_space<vmem>> -> memref<4096xf32, #tpu.memory_space<vmem>>
    %dma_wait3A_291 = tpu.memref_slice %arg3[%multiple_of3A_17] : memref<16777216xf32, #tpu.memory_space<hbm>> -> memref<4096xf32, #tpu.memory_space<hbm>>
    %dma_wait3A_292 = tpu.memref_slice %arg3[%multiple_of3A_17] : memref<16777216xf32, #tpu.memory_space<hbm>> -> memref<4096xf32, #tpu.memory_space<hbm>>
    %dma_wait3A_293 = tpu.memref_slice %arg4[%multiple_of3A] : memref<65536xf32, #tpu.memory_space<vmem>> -> memref<4096xf32, #tpu.memory_space<vmem>>
    tpu.wait_dma2 semaphore(%arg5 : memref<!tpu.dma_semaphore, #tpu.memory_space<semaphore_mem>>) src(%dma_wait3A_293 : memref<4096xf32, #tpu.memory_space<vmem>>) dst(%dma_wait3A_292 : memref<4096xf32, #tpu.memory_space<hbm>>)
    %dma_wait3A_294 = tpu.memref_slice %arg4[%multiple_of3A_31] : memref<65536xf32, #tpu.memory_space<vmem>> -> memref<4096xf32, #tpu.memory_space<vmem>>
    %dma_wait3A_295 = tpu.memref_slice %arg3[%multiple_of3A_34] : memref<16777216xf32, #tpu.memory_space<hbm>> -> memref<4096xf32, #tpu.memory_space<hbm>>
    %dma_wait3A_296 = tpu.memref_slice %arg3[%multiple_of3A_34] : memref<16777216xf32, #tpu.memory_space<hbm>> -> memref<4096xf32, #tpu.memory_space<hbm>>
    %dma_wait3A_297 = tpu.memref_slice %arg4[%multiple_of3A_31] : memref<65536xf32, #tpu.memory_space<vmem>> -> memref<4096xf32, #tpu.memory_space<vmem>>
    tpu.wait_dma2 semaphore(%arg5 : memref<!tpu.dma_semaphore, #tpu.memory_space<semaphore_mem>>) src(%dma_wait3A_297 : memref<4096xf32, #tpu.memory_space<vmem>>) dst(%dma_wait3A_296 : memref<4096xf32, #tpu.memory_space<hbm>>)
    %dma_wait3A_298 = tpu.memref_slice %arg4[%multiple_of3A_49] : memref<65536xf32, #tpu.memory_space<vmem>> -> memref<4096xf32, #tpu.memory_space<vmem>>
    %dma_wait3A_299 = tpu.memref_slice %arg3[%multiple_of3A_52] : memref<16777216xf32, #tpu.memory_space<hbm>> -> memref<4096xf32, #tpu.memory_space<hbm>>
    %dma_wait3A_300 = tpu.memref_slice %arg3[%multiple_of3A_52] : memref<16777216xf32, #tpu.memory_space<hbm>> -> memref<4096xf32, #tpu.memory_space<hbm>>
    %dma_wait3A_301 = tpu.memref_slice %arg4[%multiple_of3A_49] : memref<65536xf32, #tpu.memory_space<vmem>> -> memref<4096xf32, #tpu.memory_space<vmem>>
    tpu.wait_dma2 semaphore(%arg5 : memref<!tpu.dma_semaphore, #tpu.memory_space<semaphore_mem>>) src(%dma_wait3A_301 : memref<4096xf32, #tpu.memory_space<vmem>>) dst(%dma_wait3A_300 : memref<4096xf32, #tpu.memory_space<hbm>>)
    %dma_wait3A_302 = tpu.memref_slice %arg4[%multiple_of3A_67] : memref<65536xf32, #tpu.memory_space<vmem>> -> memref<4096xf32, #tpu.memory_space<vmem>>
    %dma_wait3A_303 = tpu.memref_slice %arg3[%multiple_of3A_70] : memref<16777216xf32, #tpu.memory_space<hbm>> -> memref<4096xf32, #tpu.memory_space<hbm>>
    %dma_wait3A_304 = tpu.memref_slice %arg3[%multiple_of3A_70] : memref<16777216xf32, #tpu.memory_space<hbm>> -> memref<4096xf32, #tpu.memory_space<hbm>>
    %dma_wait3A_305 = tpu.memref_slice %arg4[%multiple_of3A_67] : memref<65536xf32, #tpu.memory_space<vmem>> -> memref<4096xf32, #tpu.memory_space<vmem>>
    tpu.wait_dma2 semaphore(%arg5 : memref<!tpu.dma_semaphore, #tpu.memory_space<semaphore_mem>>) src(%dma_wait3A_305 : memref<4096xf32, #tpu.memory_space<vmem>>) dst(%dma_wait3A_304 : memref<4096xf32, #tpu.memory_space<hbm>>)
    %dma_wait3A_306 = tpu.memref_slice %arg4[%multiple_of3A_85] : memref<65536xf32, #tpu.memory_space<vmem>> -> memref<4096xf32, #tpu.memory_space<vmem>>
    %dma_wait3A_307 = tpu.memref_slice %arg3[%multiple_of3A_88] : memref<16777216xf32, #tpu.memory_space<hbm>> -> memref<4096xf32, #tpu.memory_space<hbm>>
    %dma_wait3A_308 = tpu.memref_slice %arg3[%multiple_of3A_88] : memref<16777216xf32, #tpu.memory_space<hbm>> -> memref<4096xf32, #tpu.memory_space<hbm>>
    %dma_wait3A_309 = tpu.memref_slice %arg4[%multiple_of3A_85] : memref<65536xf32, #tpu.memory_space<vmem>> -> memref<4096xf32, #tpu.memory_space<vmem>>
    tpu.wait_dma2 semaphore(%arg5 : memref<!tpu.dma_semaphore, #tpu.memory_space<semaphore_mem>>) src(%dma_wait3A_309 : memref<4096xf32, #tpu.memory_space<vmem>>) dst(%dma_wait3A_308 : memref<4096xf32, #tpu.memory_space<hbm>>)
    %dma_wait3A_310 = tpu.memref_slice %arg4[%multiple_of3A_103] : memref<65536xf32, #tpu.memory_space<vmem>> -> memref<4096xf32, #tpu.memory_space<vmem>>
    %dma_wait3A_311 = tpu.memref_slice %arg3[%multiple_of3A_106] : memref<16777216xf32, #tpu.memory_space<hbm>> -> memref<4096xf32, #tpu.memory_space<hbm>>
    %dma_wait3A_312 = tpu.memref_slice %arg3[%multiple_of3A_106] : memref<16777216xf32, #tpu.memory_space<hbm>> -> memref<4096xf32, #tpu.memory_space<hbm>>
    %dma_wait3A_313 = tpu.memref_slice %arg4[%multiple_of3A_103] : memref<65536xf32, #tpu.memory_space<vmem>> -> memref<4096xf32, #tpu.memory_space<vmem>>
    tpu.wait_dma2 semaphore(%arg5 : memref<!tpu.dma_semaphore, #tpu.memory_space<semaphore_mem>>) src(%dma_wait3A_313 : memref<4096xf32, #tpu.memory_space<vmem>>) dst(%dma_wait3A_312 : memref<4096xf32, #tpu.memory_space<hbm>>)
    %dma_wait3A_314 = tpu.memref_slice %arg4[%multiple_of3A_121] : memref<65536xf32, #tpu.memory_space<vmem>> -> memref<4096xf32, #tpu.memory_space<vmem>>
    %dma_wait3A_315 = tpu.memref_slice %arg3[%multiple_of3A_124] : memref<16777216xf32, #tpu.memory_space<hbm>> -> memref<4096xf32, #tpu.memory_space<hbm>>
    %dma_wait3A_316 = tpu.memref_slice %arg3[%multiple_of3A_124] : memref<16777216xf32, #tpu.memory_space<hbm>> -> memref<4096xf32, #tpu.memory_space<hbm>>
    %dma_wait3A_317 = tpu.memref_slice %arg4[%multiple_of3A_121] : memref<65536xf32, #tpu.memory_space<vmem>> -> memref<4096xf32, #tpu.memory_space<vmem>>
    tpu.wait_dma2 semaphore(%arg5 : memref<!tpu.dma_semaphore, #tpu.memory_space<semaphore_mem>>) src(%dma_wait3A_317 : memref<4096xf32, #tpu.memory_space<vmem>>) dst(%dma_wait3A_316 : memref<4096xf32, #tpu.memory_space<hbm>>)
    %dma_wait3A_318 = tpu.memref_slice %arg4[%multiple_of3A_139] : memref<65536xf32, #tpu.memory_space<vmem>> -> memref<4096xf32, #tpu.memory_space<vmem>>
    %dma_wait3A_319 = tpu.memref_slice %arg3[%multiple_of3A_142] : memref<16777216xf32, #tpu.memory_space<hbm>> -> memref<4096xf32, #tpu.memory_space<hbm>>
    %dma_wait3A_320 = tpu.memref_slice %arg3[%multiple_of3A_142] : memref<16777216xf32, #tpu.memory_space<hbm>> -> memref<4096xf32, #tpu.memory_space<hbm>>
    %dma_wait3A_321 = tpu.memref_slice %arg4[%multiple_of3A_139] : memref<65536xf32, #tpu.memory_space<vmem>> -> memref<4096xf32, #tpu.memory_space<vmem>>
    tpu.wait_dma2 semaphore(%arg5 : memref<!tpu.dma_semaphore, #tpu.memory_space<semaphore_mem>>) src(%dma_wait3A_321 : memref<4096xf32, #tpu.memory_space<vmem>>) dst(%dma_wait3A_320 : memref<4096xf32, #tpu.memory_space<hbm>>)
    %dma_wait3A_322 = tpu.memref_slice %arg4[%multiple_of3A_157] : memref<65536xf32, #tpu.memory_space<vmem>> -> memref<4096xf32, #tpu.memory_space<vmem>>
    %dma_wait3A_323 = tpu.memref_slice %arg3[%multiple_of3A_160] : memref<16777216xf32, #tpu.memory_space<hbm>> -> memref<4096xf32, #tpu.memory_space<hbm>>
    %dma_wait3A_324 = tpu.memref_slice %arg3[%multiple_of3A_160] : memref<16777216xf32, #tpu.memory_space<hbm>> -> memref<4096xf32, #tpu.memory_space<hbm>>
    %dma_wait3A_325 = tpu.memref_slice %arg4[%multiple_of3A_157] : memref<65536xf32, #tpu.memory_space<vmem>> -> memref<4096xf32, #tpu.memory_space<vmem>>
    tpu.wait_dma2 semaphore(%arg5 : memref<!tpu.dma_semaphore, #tpu.memory_space<semaphore_mem>>) src(%dma_wait3A_325 : memref<4096xf32, #tpu.memory_space<vmem>>) dst(%dma_wait3A_324 : memref<4096xf32, #tpu.memory_space<hbm>>)
    %dma_wait3A_326 = tpu.memref_slice %arg4[%multiple_of3A_175] : memref<65536xf32, #tpu.memory_space<vmem>> -> memref<4096xf32, #tpu.memory_space<vmem>>
    %dma_wait3A_327 = tpu.memref_slice %arg3[%multiple_of3A_178] : memref<16777216xf32, #tpu.memory_space<hbm>> -> memref<4096xf32, #tpu.memory_space<hbm>>
    %dma_wait3A_328 = tpu.memref_slice %arg3[%multiple_of3A_178] : memref<16777216xf32, #tpu.memory_space<hbm>> -> memref<4096xf32, #tpu.memory_space<hbm>>
    %dma_wait3A_329 = tpu.memref_slice %arg4[%multiple_of3A_175] : memref<65536xf32, #tpu.memory_space<vmem>> -> memref<4096xf32, #tpu.memory_space<vmem>>
    tpu.wait_dma2 semaphore(%arg5 : memref<!tpu.dma_semaphore, #tpu.memory_space<semaphore_mem>>) src(%dma_wait3A_329 : memref<4096xf32, #tpu.memory_space<vmem>>) dst(%dma_wait3A_328 : memref<4096xf32, #tpu.memory_space<hbm>>)
    %dma_wait3A_330 = tpu.memref_slice %arg4[%multiple_of3A_193] : memref<65536xf32, #tpu.memory_space<vmem>> -> memref<4096xf32, #tpu.memory_space<vmem>>
    %dma_wait3A_331 = tpu.memref_slice %arg3[%multiple_of3A_196] : memref<16777216xf32, #tpu.memory_space<hbm>> -> memref<4096xf32, #tpu.memory_space<hbm>>
    %dma_wait3A_332 = tpu.memref_slice %arg3[%multiple_of3A_196] : memref<16777216xf32, #tpu.memory_space<hbm>> -> memref<4096xf32, #tpu.memory_space<hbm>>
    %dma_wait3A_333 = tpu.memref_slice %arg4[%multiple_of3A_193] : memref<65536xf32, #tpu.memory_space<vmem>> -> memref<4096xf32, #tpu.memory_space<vmem>>
    tpu.wait_dma2 semaphore(%arg5 : memref<!tpu.dma_semaphore, #tpu.memory_space<semaphore_mem>>) src(%dma_wait3A_333 : memref<4096xf32, #tpu.memory_space<vmem>>) dst(%dma_wait3A_332 : memref<4096xf32, #tpu.memory_space<hbm>>)
    %dma_wait3A_334 = tpu.memref_slice %arg4[%multiple_of3A_211] : memref<65536xf32, #tpu.memory_space<vmem>> -> memref<4096xf32, #tpu.memory_space<vmem>>
    %dma_wait3A_335 = tpu.memref_slice %arg3[%multiple_of3A_214] : memref<16777216xf32, #tpu.memory_space<hbm>> -> memref<4096xf32, #tpu.memory_space<hbm>>
    %dma_wait3A_336 = tpu.memref_slice %arg3[%multiple_of3A_214] : memref<16777216xf32, #tpu.memory_space<hbm>> -> memref<4096xf32, #tpu.memory_space<hbm>>
    %dma_wait3A_337 = tpu.memref_slice %arg4[%multiple_of3A_211] : memref<65536xf32, #tpu.memory_space<vmem>> -> memref<4096xf32, #tpu.memory_space<vmem>>
    tpu.wait_dma2 semaphore(%arg5 : memref<!tpu.dma_semaphore, #tpu.memory_space<semaphore_mem>>) src(%dma_wait3A_337 : memref<4096xf32, #tpu.memory_space<vmem>>) dst(%dma_wait3A_336 : memref<4096xf32, #tpu.memory_space<hbm>>)
    %dma_wait3A_338 = tpu.memref_slice %arg4[%multiple_of3A_229] : memref<65536xf32, #tpu.memory_space<vmem>> -> memref<4096xf32, #tpu.memory_space<vmem>>
    %dma_wait3A_339 = tpu.memref_slice %arg3[%multiple_of3A_232] : memref<16777216xf32, #tpu.memory_space<hbm>> -> memref<4096xf32, #tpu.memory_space<hbm>>
    %dma_wait3A_340 = tpu.memref_slice %arg3[%multiple_of3A_232] : memref<16777216xf32, #tpu.memory_space<hbm>> -> memref<4096xf32, #tpu.memory_space<hbm>>
    %dma_wait3A_341 = tpu.memref_slice %arg4[%multiple_of3A_229] : memref<65536xf32, #tpu.memory_space<vmem>> -> memref<4096xf32, #tpu.memory_space<vmem>>
    tpu.wait_dma2 semaphore(%arg5 : memref<!tpu.dma_semaphore, #tpu.memory_space<semaphore_mem>>) src(%dma_wait3A_341 : memref<4096xf32, #tpu.memory_space<vmem>>) dst(%dma_wait3A_340 : memref<4096xf32, #tpu.memory_space<hbm>>)
    %dma_wait3A_342 = tpu.memref_slice %arg4[%multiple_of3A_247] : memref<65536xf32, #tpu.memory_space<vmem>> -> memref<4096xf32, #tpu.memory_space<vmem>>
    %dma_wait3A_343 = tpu.memref_slice %arg3[%multiple_of3A_250] : memref<16777216xf32, #tpu.memory_space<hbm>> -> memref<4096xf32, #tpu.memory_space<hbm>>
    %dma_wait3A_344 = tpu.memref_slice %arg3[%multiple_of3A_250] : memref<16777216xf32, #tpu.memory_space<hbm>> -> memref<4096xf32, #tpu.memory_space<hbm>>
    %dma_wait3A_345 = tpu.memref_slice %arg4[%multiple_of3A_247] : memref<65536xf32, #tpu.memory_space<vmem>> -> memref<4096xf32, #tpu.memory_space<vmem>>
    tpu.wait_dma2 semaphore(%arg5 : memref<!tpu.dma_semaphore, #tpu.memory_space<semaphore_mem>>) src(%dma_wait3A_345 : memref<4096xf32, #tpu.memory_space<vmem>>) dst(%dma_wait3A_344 : memref<4096xf32, #tpu.memory_space<hbm>>)
    %dma_wait3A_346 = tpu.memref_slice %arg4[%multiple_of3A_265] : memref<65536xf32, #tpu.memory_space<vmem>> -> memref<4096xf32, #tpu.memory_space<vmem>>
    %dma_wait3A_347 = tpu.memref_slice %arg3[%multiple_of3A_268] : memref<16777216xf32, #tpu.memory_space<hbm>> -> memref<4096xf32, #tpu.memory_space<hbm>>
    %dma_wait3A_348 = tpu.memref_slice %arg3[%multiple_of3A_268] : memref<16777216xf32, #tpu.memory_space<hbm>> -> memref<4096xf32, #tpu.memory_space<hbm>>
    %dma_wait3A_349 = tpu.memref_slice %arg4[%multiple_of3A_265] : memref<65536xf32, #tpu.memory_space<vmem>> -> memref<4096xf32, #tpu.memory_space<vmem>>
    tpu.wait_dma2 semaphore(%arg5 : memref<!tpu.dma_semaphore, #tpu.memory_space<semaphore_mem>>) src(%dma_wait3A_349 : memref<4096xf32, #tpu.memory_space<vmem>>) dst(%dma_wait3A_348 : memref<4096xf32, #tpu.memory_space<hbm>>)
    %dma_wait3A_350 = tpu.memref_slice %arg4[%multiple_of3A_283] : memref<65536xf32, #tpu.memory_space<vmem>> -> memref<4096xf32, #tpu.memory_space<vmem>>
    %dma_wait3A_351 = tpu.memref_slice %arg3[%multiple_of3A_286] : memref<16777216xf32, #tpu.memory_space<hbm>> -> memref<4096xf32, #tpu.memory_space<hbm>>
    %dma_wait3A_352 = tpu.memref_slice %arg3[%multiple_of3A_286] : memref<16777216xf32, #tpu.memory_space<hbm>> -> memref<4096xf32, #tpu.memory_space<hbm>>
    %dma_wait3A_353 = tpu.memref_slice %arg4[%multiple_of3A_283] : memref<65536xf32, #tpu.memory_space<vmem>> -> memref<4096xf32, #tpu.memory_space<vmem>>
    tpu.wait_dma2 semaphore(%arg5 : memref<!tpu.dma_semaphore, #tpu.memory_space<semaphore_mem>>) src(%dma_wait3A_353 : memref<4096xf32, #tpu.memory_space<vmem>>) dst(%dma_wait3A_352 : memref<4096xf32, #tpu.memory_space<hbm>>)
    %scan3A_354 = arith.constant 1 : i32
    return
  }
}

module attributes {stable_mosaic.version = 14 : i64} {
  func.func @_shift_table_body(%arg0: memref<1x8320xf32, #tpu.memory_space<vmem>>, %arg1: memref<8x8192xf32, #tpu.memory_space<vmem>>) attributes {dimension_semantics = [], scalar_prefetch = 0 : i64, scratch_operands = 0 : i64, tpu.core_type = #tpu.core_type<tc>} {
    %get3A = arith.constant 0 : index
    %get3A_0 = arith.constant 0 : index
    %get3A_1 = vector.load %arg0[%get3A, %get3A_0] : memref<1x8320xf32, #tpu.memory_space<vmem>>, vector<1x8192xf32>
    %get3A_2 = vector.shape_cast %get3A_1 : vector<1x8192xf32> to vector<8192xf32>
    %swap3A = arith.constant 0 : index
    %swap3A_3 = arith.constant 0 : index
    %swap3A_4 = vector.load %arg1[%swap3A, %swap3A_3] : memref<8x8192xf32, #tpu.memory_space<vmem>>, vector<1x8192xf32>
    %swap3A_5 = vector.shape_cast %swap3A_4 : vector<1x8192xf32> to vector<8192xf32>
    %swap3A_6 = vector.shape_cast %get3A_2 : vector<8192xf32> to vector<1x8192xf32>
    tpu.vector_store %arg1[%swap3A, %swap3A_3], %swap3A_6 {strides = array<i32>} : memref<8x8192xf32, #tpu.memory_space<vmem>>, vector<1x8192xf32>,
    %get3A_7 = arith.constant 0 : index
    %get3A_8 = arith.constant 1 : index
    %get3A_9 = vector.load %arg0[%get3A_7, %get3A_8] : memref<1x8320xf32, #tpu.memory_space<vmem>>, vector<1x8192xf32>
    %get3A_10 = vector.shape_cast %get3A_9 : vector<1x8192xf32> to vector<8192xf32>
    %swap3A_11 = arith.constant 1 : index
    %swap3A_12 = arith.constant 0 : index
    %swap3A_13 = vector.load %arg1[%swap3A_11, %swap3A_12] : memref<8x8192xf32, #tpu.memory_space<vmem>>, vector<1x8192xf32>
    %swap3A_14 = vector.shape_cast %swap3A_13 : vector<1x8192xf32> to vector<8192xf32>
    %swap3A_15 = vector.shape_cast %get3A_10 : vector<8192xf32> to vector<1x8192xf32>
    tpu.vector_store %arg1[%swap3A_11, %swap3A_12], %swap3A_15 {strides = array<i32>} : memref<8x8192xf32, #tpu.memory_space<vmem>>, vector<1x8192xf32>,
    %get3A_16 = arith.constant 0 : index
    %get3A_17 = arith.constant 2 : index
    %get3A_18 = vector.load %arg0[%get3A_16, %get3A_17] : memref<1x8320xf32, #tpu.memory_space<vmem>>, vector<1x8192xf32>
    %get3A_19 = vector.shape_cast %get3A_18 : vector<1x8192xf32> to vector<8192xf32>
    %swap3A_20 = arith.constant 2 : index
    %swap3A_21 = arith.constant 0 : index
    %swap3A_22 = vector.load %arg1[%swap3A_20, %swap3A_21] : memref<8x8192xf32, #tpu.memory_space<vmem>>, vector<1x8192xf32>
    %swap3A_23 = vector.shape_cast %swap3A_22 : vector<1x8192xf32> to vector<8192xf32>
    %swap3A_24 = vector.shape_cast %get3A_19 : vector<8192xf32> to vector<1x8192xf32>
    tpu.vector_store %arg1[%swap3A_20, %swap3A_21], %swap3A_24 {strides = array<i32>} : memref<8x8192xf32, #tpu.memory_space<vmem>>, vector<1x8192xf32>,
    %get3A_25 = arith.constant 0 : index
    %get3A_26 = arith.constant 3 : index
    %get3A_27 = vector.load %arg0[%get3A_25, %get3A_26] : memref<1x8320xf32, #tpu.memory_space<vmem>>, vector<1x8192xf32>
    %get3A_28 = vector.shape_cast %get3A_27 : vector<1x8192xf32> to vector<8192xf32>
    %swap3A_29 = arith.constant 3 : index
    %swap3A_30 = arith.constant 0 : index
    %swap3A_31 = vector.load %arg1[%swap3A_29, %swap3A_30] : memref<8x8192xf32, #tpu.memory_space<vmem>>, vector<1x8192xf32>
    %swap3A_32 = vector.shape_cast %swap3A_31 : vector<1x8192xf32> to vector<8192xf32>
    %swap3A_33 = vector.shape_cast %get3A_28 : vector<8192xf32> to vector<1x8192xf32>
    tpu.vector_store %arg1[%swap3A_29, %swap3A_30], %swap3A_33 {strides = array<i32>} : memref<8x8192xf32, #tpu.memory_space<vmem>>, vector<1x8192xf32>,
    %get3A_34 = arith.constant 0 : index
    %get3A_35 = arith.constant 4 : index
    %get3A_36 = vector.load %arg0[%get3A_34, %get3A_35] : memref<1x8320xf32, #tpu.memory_space<vmem>>, vector<1x8192xf32>
    %get3A_37 = vector.shape_cast %get3A_36 : vector<1x8192xf32> to vector<8192xf32>
    %swap3A_38 = arith.constant 4 : index
    %swap3A_39 = arith.constant 0 : index
    %swap3A_40 = vector.load %arg1[%swap3A_38, %swap3A_39] : memref<8x8192xf32, #tpu.memory_space<vmem>>, vector<1x8192xf32>
    %swap3A_41 = vector.shape_cast %swap3A_40 : vector<1x8192xf32> to vector<8192xf32>
    %swap3A_42 = vector.shape_cast %get3A_37 : vector<8192xf32> to vector<1x8192xf32>
    tpu.vector_store %arg1[%swap3A_38, %swap3A_39], %swap3A_42 {strides = array<i32>} : memref<8x8192xf32, #tpu.memory_space<vmem>>, vector<1x8192xf32>,
    %get3A_43 = arith.constant 0 : index
    %get3A_44 = arith.constant 5 : index
    %get3A_45 = vector.load %arg0[%get3A_43, %get3A_44] : memref<1x8320xf32, #tpu.memory_space<vmem>>, vector<1x8192xf32>
    %get3A_46 = vector.shape_cast %get3A_45 : vector<1x8192xf32> to vector<8192xf32>
    %swap3A_47 = arith.constant 5 : index
    %swap3A_48 = arith.constant 0 : index
    %swap3A_49 = vector.load %arg1[%swap3A_47, %swap3A_48] : memref<8x8192xf32, #tpu.memory_space<vmem>>, vector<1x8192xf32>
    %swap3A_50 = vector.shape_cast %swap3A_49 : vector<1x8192xf32> to vector<8192xf32>
    %swap3A_51 = vector.shape_cast %get3A_46 : vector<8192xf32> to vector<1x8192xf32>
    tpu.vector_store %arg1[%swap3A_47, %swap3A_48], %swap3A_51 {strides = array<i32>} : memref<8x8192xf32, #tpu.memory_space<vmem>>, vector<1x8192xf32>,
    %get3A_52 = arith.constant 0 : index
    %get3A_53 = arith.constant 6 : index
    %get3A_54 = vector.load %arg0[%get3A_52, %get3A_53] : memref<1x8320xf32, #tpu.memory_space<vmem>>, vector<1x8192xf32>
    %get3A_55 = vector.shape_cast %get3A_54 : vector<1x8192xf32> to vector<8192xf32>
    %swap3A_56 = arith.constant 6 : index
    %swap3A_57 = arith.constant 0 : index
    %swap3A_58 = vector.load %arg1[%swap3A_56, %swap3A_57] : memref<8x8192xf32, #tpu.memory_space<vmem>>, vector<1x8192xf32>
    %swap3A_59 = vector.shape_cast %swap3A_58 : vector<1x8192xf32> to vector<8192xf32>
    %swap3A_60 = vector.shape_cast %get3A_55 : vector<8192xf32> to vector<1x8192xf32>
    tpu.vector_store %arg1[%swap3A_56, %swap3A_57], %swap3A_60 {strides = array<i32>} : memref<8x8192xf32, #tpu.memory_space<vmem>>, vector<1x8192xf32>,
    %get3A_61 = arith.constant 0 : index
    %get3A_62 = arith.constant 7 : index
    %get3A_63 = vector.load %arg0[%get3A_61, %get3A_62] : memref<1x8320xf32, #tpu.memory_space<vmem>>, vector<1x8192xf32>
    %get3A_64 = vector.shape_cast %get3A_63 : vector<1x8192xf32> to vector<8192xf32>
    %swap3A_65 = arith.constant 7 : index
    %swap3A_66 = arith.constant 0 : index
    %swap3A_67 = vector.load %arg1[%swap3A_65, %swap3A_66] : memref<8x8192xf32, #tpu.memory_space<vmem>>, vector<1x8192xf32>
    %swap3A_68 = vector.shape_cast %swap3A_67 : vector<1x8192xf32> to vector<8192xf32>
    %swap3A_69 = vector.shape_cast %get3A_64 : vector<8192xf32> to vector<1x8192xf32>
    tpu.vector_store %arg1[%swap3A_65, %swap3A_66], %swap3A_69 {strides = array<i32>} : memref<8x8192xf32, #tpu.memory_space<vmem>>, vector<1x8192xf32>,
    return
  }
}

</mosaic_0001>

<sc_bundles>
// kernel: kernel.4.cloned.1.call-start
scs
__scs_entry_jumppad:
0x0: {  	(pc) =	sbr.rel $0x88, $3  }
0x1: {  	(tag) =	ssettag $0x0;
	lr =	simm.s32 $0x1  }
0x2: {  	[smem:$0x3FA0] =	sst lr;
	_ =	strace $0xD0000000  }
0x3: {  	_ = 	snop  }
0x4: {  	_ = 	snop  }
0x5: {  	_ = 	snop  }
0x6: {  	_ = 	snop  }
0x7: {  	_ = 	snop  }
__scs_overlays_trampoline_lowered:
0x8: {  	[smem:$0x3FAF] =	sst s0  }
0x9: {  	[smem:$0x3FB0] =	sst s1  }
0xa: {  	[smem:$0x3FB1] =	sst s2  }
0xb: {  	[smem:$0x3FB2] =	sst s3  }
0xc: {  	[smem:$0x3FB3] =	sst s4  }
0xd: {  	[smem:$0x3FB4] =	sst s5  }
0xe: {  	[smem:$0x3FB5] =	sst s6  }
0xf: {  	[smem:$0x3FB6] =	sst s7  }
0x10: {  	[smem:$0x3FB7] =	sst s8  }
0x11: {  	[smem:$0x3FB8] =	sst s9;
	s0 =	simm.s32 @!p0 $0x0  }
0x12: {  	s1 =	sld [smem:$0x3F9E];
	s0 =	simm.s32 @p0 $0x1  }
0x13: {  	[smem:$0x3FB9] =	sst s0;
	s0 =	simm.s32 @!p1 $0x0  }
0x14: {  	s2 =	sld [smem:$0x3F9D];
	s0 =	simm.s32 @p1 $0x1  }
0x15: {  	[smem:$0x3FBA] =	sst s0;
	s0 =	simm.s32 @!p2 $0x0  }
0x16: {  	s3 =	sld [smem:$0x3FDB];
	s0 =	simm.s32 @p2 $0x1  }
0x17: {  	s4 =	simm.s32 $0x1BF5;
	[smem:$0x3FBC] =	sst s0  }
0x18: {  	s0 =	sld [smem:$0x3F9F];
	_ =	swait.ge [sflag:s4], $0x0  }
0x19: {  	s7 =	sld [smem:$0x3FA0]  }
0x1a: {  	s8 =	sadd.s32 $0xFFFFE003, lr  }
0x1b: {  	s9 =	sadd.s32 $0xFFFFFEF7, lr;
	s5 =	simm.s32 $0xFFFFFFFF;
	p2 =	slt.u32 s8, $0xFFFFF086  }
0x1c: {  	p1 =	slt.u32 s9, $0xF7A;
	s5 =	simm.s32 @!p2 $0x0  }
0x1d: {  	s5 =	simm.s32 @p1 $0x1;
	p0 =	seq.s32 s7, s2  }
0x1e: {  	s7 =	smul.u32 @!p0 $0xF7A, s2;
	p2 =	seq.s32 @!p0 s5, $0x0  }
0x1f: {  	s9 =	smul.u32 $0xF7A, s1;
	s8 =	simm.s32 @!p0 $0x1BF5;
	p2 =	por !p2, p0  }
0x20: {  	[sflag:s8] =	ssyncset.s32 @!p0 $0xFFFFF086;
	s6 =	sadd.s32 @!p0 s3, s7;
	s7 =	simm.s32 @!p0 $0x108  }
0x21: {  	s3 =	sadd.s32 s3, s9;
	s6 =	sadd.s32 @!p0 $0x88, s6;
	s7 =	simm.s32 @p2 $0x1082  }
0x22: {  	[simem:s7], [sflag:s8] =	dma.local @!p0 [hbm:s6], $0xF7A  }
0x23: {  	s9 =	sor.u32 $0xD0000000, s2;
	s6 =	simm.s32 $0x108;
	_ =	swait.ge @!p0 [sflag:s8], $0x0  }
0x24: {  	s3 =	sadd.s32 $0x88, s3;
	s6 =	simm.s32 @!p1 $0x1082;
	[sflag:s4] =	ssyncset.s32 $0xFFFFF086  }
0x25: {  	[simem:s6], [sflag:s4] =	dma.local [hbm:s3], $0xF7A  }
0x26: {  	[smem:$0x3FA0] =	sst s1;
	(tag) =	ssettag s2;
	_ =	strace s9  }
0x27: {  	s1 =	sld [smem:$0x3FB0]  }
0x28: {  	s2 =	sld [smem:$0x3FB1]  }
0x29: {  	s4 =	sld [smem:$0x3FB3]  }
0x2a: {  	p0 =	seq.s32 s5, $0x0;
	s5 =	sld [smem:$0x3FB4]  }
0x2b: {  	s6 =	sld [smem:$0x3FB5]  }
0x2c: {  	s7 =	sld [smem:$0x3FB6]  }
0x2d: {  	s3 =	simm.s32 $0x108;
	s8 =	sld [smem:$0x3FB7]  }
0x2e: {  	s3 =	simm.s32 @!p0 $0x1082;
	s9 =	sld [smem:$0x3FB8]  }
0x2f: {  	lr =	sadd.s32 s0, s3;
	s0 =	sld [smem:$0x3FAF]  }
0x30: {  	s3 =	sld [smem:$0x3FB2]  }
0x31: {  	[smem:$0x3FBB] =	sst s10  }
0x32: {  	s10 =	sld [smem:$0x3FB9];
	_ =	sdelay $0x3  }
0x33: {  	p0 =	seq.s32 s10, $0x1;
	s10 =	sld [smem:$0x3FBB];
	_ =	sdelay $0x3  }
0x34: {  	[smem:$0x3FBB] =	sst s10  }
0x35: {  	s10 =	sld [smem:$0x3FBA];
	_ =	sdelay $0x3  }
0x36: {  	p1 =	seq.s32 s10, $0x1;
	s10 =	sld [smem:$0x3FBB];
	_ =	sdelay $0x3  }
0x37: {  	[smem:$0x3FBB] =	sst s10  }
0x38: {  	s10 =	sld [smem:$0x3FBC]  }
0x39: {  	_ = 	snop;
	(pc) =	sbr.ind lr, $3  }
0x3a: {  	_ = 	snop  }
0x3b: {  	_ = 	snop  }
0x3c: {  	p2 =	seq.s32 s10, $0x1;
	s10 =	sld [smem:$0x3FBB]  }
0x3d: {  	_ =	shalt  }
0x3e: {  	_ =	shalt  }
0x3f: {  	_ =	shalt  }
0x40: {  	_ =	shalt  }
0x41: {  	_ =	shalt  }
0x42: {  	_ =	shalt  }
0x43: {  	_ =	shalt  }
0x44: {  	_ =	shalt  }
0x45: {  	_ =	shalt  }
0x46: {  	_ =	shalt  }
0x47: {  	_ =	shalt  }
0x48: {  	_ =	shalt  }
0x49: {  	_ =	shalt  }
0x4a: {  	_ =	shalt  }
0x4b: {  	_ =	shalt  }
0x4c: {  	_ =	shalt  }
0x4d: {  	_ =	shalt  }
0x4e: {  	_ =	shalt  }
0x4f: {  	_ =	shalt  }
0x50: {  	_ =	shalt  }
0x51: {  	_ =	shalt  }
0x52: {  	_ =	shalt  }
0x53: {  	_ =	shalt  }
0x54: {  	_ =	shalt  }
0x55: {  	_ =	shalt  }
0x56: {  	_ =	shalt  }
0x57: {  	_ =	shalt  }
0x58: {  	_ =	shalt  }
0x59: {  	_ =	shalt  }
0x5a: {  	_ =	shalt  }
0x5b: {  	_ =	shalt  }
0x5c: {  	_ =	shalt  }
0x5d: {  	_ =	shalt  }
0x5e: {  	_ =	shalt  }
0x5f: {  	_ =	shalt  }
0x60: {  	_ =	shalt  }
0x61: {  	_ =	shalt  }
0x62: {  	_ =	shalt  }
0x63: {  	_ =	shalt  }
0x64: {  	_ =	shalt  }
0x65: {  	_ =	shalt  }
0x66: {  	_ =	shalt  }
0x67: {  	_ =	shalt  }
0x68: {  	_ =	shalt  }
0x69: {  	_ =	shalt  }
0x6a: {  	_ =	shalt  }
0x6b: {  	_ =	shalt  }
0x6c: {  	_ =	shalt  }
0x6d: {  	_ =	shalt  }
0x6e: {  	_ =	shalt  }
0x6f: {  	_ =	shalt  }
0x70: {  	_ =	shalt  }
0x71: {  	_ =	shalt  }
0x72: {  	_ =	shalt  }
0x73: {  	_ =	shalt  }
0x74: {  	_ =	shalt  }
0x75: {  	_ =	shalt  }
0x76: {  	_ =	shalt  }
0x77: {  	_ =	shalt  }
0x78: {  	_ =	shalt  }
0x79: {  	_ =	shalt  }
0x7a: {  	_ =	shalt  }
0x7b: {  	_ =	shalt  }
0x7c: {  	_ =	shalt  }
0x7d: {  	_ =	shalt  }
0x7e: {  	_ =	shalt  }
0x7f: {  	_ =	shalt  }
0x80: {  	_ =	shalt  }
0x81: {  	_ =	shalt  }
0x82: {  	_ =	shalt  }
0x83: {  	_ =	shalt  }
0x84: {  	_ =	shalt  }
0x85: {  	_ =	shalt  }
0x86: {  	_ =	shalt  }
0x87: {  	_ =	shalt  }
.Lfunc_end0:
.L_simem_size_0:
called_computation_lowered:
.L_overlay_start_0:
0x88: {  	s2 =	sld [smem:$0x3FD9]  }
0x89: {  	s3 =	sld [smem:$0x3FFE];
	_ =	sdelay $0x1  }
0x8a: {  	s1 =	srdreg.scid  }
0x8b: {  	s0 =	sand.u32 $0x1, s1  }
0x8c: {  	s17 =	sshll.u32 s0, $0xA;
	s2 =	sadd.s32 s3, s2  }
0x8d: {  	s2 =	sadd.s32 s2, s17  }
0x8e: {  	[smem:$0x3FC7] =	sst s2  }
0x8f: {  	_ = 	snop  }
0x90: {  	s2 =	sld [smem:$0x3FD0];
	(tm) =	ssettm $0x1  }
0x91: {  	s18 =	sld [smem:$0x3FFB];
	_ =	sdelay $0x3  }
0x92: {  	_ =	strace s18  }
0x93: {  	s3 =	sld [smem:$0x3FFC];
	_ =	sdelay $0x3  }
0x94: {  	_ =	strace s3  }
0x95: {  	s3 =	sld [smem:$0x3FFD];
	_ =	sdelay $0x3  }
0x96: {  	_ =	strace s3  }
0x97: {  	_ =	strace $0x8FFFFFFF  }
0x98: {  	s19 =	sld [smem:$0x3FDB];
	_ =	sdelay $0x1  }
0x99: {  	s4 =	simm.s32 $_scs_section_size  }
0x9a: {  	s5 =	simm.s32 $_size__tile_overlayer_lowered;
	s6 =	simm.s32 $_tile_overlayer_lowered  }
0x9b: {  	s22 =	simm.s32 $0x1BFF;
	s21 =	sshll.u32 s6, $0x1;
	s3 =	sadd.s32 s4, s19  }
0x9c: {  	s7 =	simm.s32 $0x0;
	s20 =	sshll.u32 s5, $0x1;
	s5 =	sadd.s32 s21, s3  }
0x9d: {  	[timem:s7], [sflag:s22] =	dma.local [hbm:s5], s20  }
0x9e: {  	_ =	swait.ge [sflag:s22], s20  }
0x9f: {  	s4 =	ssub.s32 $0x0, s20;
	[sflag:s22] =	ssyncset.done $0x0  }
0xa0: {  	[sflag:s22] =	ssyncadd.s32 s4;
	_ =	sdelay $0x1  }
0xa1: {  	s23 =	simm.s32 $0x1B8B  }
0xa2: {  	_ =	swait.ge [sflag:s23], $0x1  }
0xa3: {  	[sflag:s23] =	ssyncset.done $0x0  }
0xa4: {  	s25 =	simm.s32 $0x1B8E;
	s24 =	sld [smem:$0x3FFE];
	[sflag:s23] =	ssyncadd.s32 $0xFFFFFFFF  }
0xa5: {  	s26 =	simm.s32 $execute0_lowered;
	[smem:$0x3FD2] =	sst s25  }
0xa6: {  	s5 =	sshll.u32 s26, $0x1;
	_ =	strace $0x80000046;
	[dreg:$0x1] =	wrdreg $0xFFFFFFFF  }
0xa7: {  	s28 =	simm.s32 $_size_execute0_lowered;
	s3 =	sadd.s32 s3, s5;
	[dreg:$0x0] =	wrdreg $0x0  }
0xa8: {  	s5 =	sshll.u32 s28, $0x1;
	[dreg:$0x2] =	wrdreg s3  }
0xa9: {  	[dreg:$0x3] =	wrdreg s5  }
0xaa: {  	[dreg:$0x4] =	wrdreg $0xC0  }
0xab: {  	_ =	task [dreg:s7], $0x5FFFF  }
0xac: {  	[dreg:$0x1] =	wrdreg $0xFFFFFFFF  }
0xad: {  	[dreg:$0x0] =	wrdreg $0x60  }
0xae: {  	[dreg:$0x2] =	wrdreg s2  }
0xaf: {  	[dreg:$0x3] =	wrdreg s24  }
0xb0: {  	[dreg:$0x4] =	wrdreg $0x9  }
0xb1: {  	_ =	task.clear_ibuf [dreg:s7], $0x5FFFF;
	_ =	strace $0x90000046  }
0xb2: {  	s29 =	simm.s32 $0x9;
	_ =	strace $0x80000048  }
0xb3: {  	_ =	swait.ge [sflag:s29], $0x1  }
0xb4: {  	[sflag:s29] =	ssyncadd.s32 $0xFFFFFFFF  }
0xb5: {  	_ =	strace $0x90000048  }
0xb6: {  	_ =	sfence  }
0xb7: {  	s30 =	sld [smem:$0x0];
	_ =	sdelay $0x2  }
0xb8: {  	s31 =	sshll.u32 s1, $0xD;
	s1 =	sshrl.u32 s1, $0x2  }
0xb9: {  	s3 =	sand.u32 $0x4000, s31;
	s1 =	sadd.s32 s1, s30  }
0xba: {  	s0 =	sor.u32 s3, s0;
	s1 =	sshll.u32 s1, $0x11  }
0xbb: {  	s0 =	sor.u32 s1, s0  }
0xbc: {  	s0 =	sadd.s32 $0x8F2B, s0  }
0xbd: {  	[sflag:s0] =	ssyncadd.remote.s32 $0x1  }
0xbe: {  	_ =	sfence.sel $0xFFFF  }
0xbf: {  	[dreg:$0x0] =	wrdreg $0xFFFFFFFF;
	(pc) =	sbr.abs _section_cstart, $3  }
0xc0: {  	[dreg:$0x1] =	wrdreg $0xFFFFFFFF  }
0xc1: {  	_ =	task.clear_ibuf [dreg:s7], $0x2FFFF;
	_ =	strace $0x9FFFFFFF  }
0xc2: {  	(tm) =	ssettm $0x7FFFFFFF  }
0xc3: {  	_ =	shalt  }
tec
execute0_lowered:
.L_overlay_start_1:
0x0: {  	(tag) =	ssettag $0x1  }
0x1: {  	s0 =	rddreg [dreg:$0x0];
	s1 =	srdreg.scid  }
0x2: {  	s19 =	stileid.u32;
	s3 =	rddreg [dreg:$0x1]  }
0x3: {  	s2 =	simm.s32 $0x0;
	p0 =	por $0x0, $0x0;
	[dreg:$0x3] =	wrdreg s0  }
0x4: {  	s1 =	sand.u32 $0x1, s1;
	s4 =	sshll.u32 s19, $0x1;
	[smem:$0x7FF] =	sst s2  }
0x5: {  	s7 =	simm.s32 $0x2;
	s4 =	sor.u32 s1, s4;
	_ =	strace $0x80000047  }
0x6: {  	s1 =	ssub.s32 $0x2, s1;
	s25 =	sshll.u32 s4, $0x7;
	s4 =	sshll.u32 s4, $0x10  }
0x7: {  	s24 =	sshrl.u32 s1, $0x1;
	s5 =	sxor.u32 $0xEFF8, s25;
	s31 =	sadd.s32 s3, s4  }
0x8: {  	s20 =	sxor.u32 $0xCFF8, s25;
	s22 =	sxor.u32 $0xAFF8, s25;
	s1 =	ssub.s32 s1, s24  }
0x9: {  	s4 =	sxor.u32 $0x8FF8, s25;
	s8 =	sxor.u32 $0x6FF8, s25;
	s10 =	sxor.u32 $0x4FF8, s25  }
0xa: {  	s12 =	sxor.u32 $0x2FF8, s25;
	s14 =	sxor.u32 $0xFF8, s25;
	s16 =	sxor.u32 $0xEFF0, s25  }
0xb: {  	s18 =	sxor.u32 $0xCFF0, s25;
	s24 =	sxor.u32 $0x6FF0, s25;
	[dreg:$0x4] =	wrdreg s5  }
0xc: {  	s28 =	sxor.u32 $0xFF0, s25;
	s3 =	simm.s32 $0x1;
	[dreg:$0x6] =	wrdreg s20  }
0xd: {  	s21 =	sadd.s32 $0x200, s31;
	[dreg:$0x8] =	wrdreg s22;
	s23 =	sadd.s32 $0x400, s31  }
0xe: {  	s26 =	sadd.s32 $0x600, s31;
	s9 =	sadd.s32 $0x800, s31;
	s11 =	sadd.s32 $0xA00, s31  }
0xf: {  	s13 =	sadd.s32 $0xC00, s31;
	s15 =	sadd.s32 $0xE00, s31;
	s1 =	smax.u32 s1, $0x1  }
0x10: {  	s17 =	sadd.s32 $0x1000, s31;
	s19 =	sadd.s32 $0x1200, s31;
	p1 =	sne.s32 s1, $0x1  }
.Ltmp0:
0x11: {  	s20 =	sxor.u32 $0xAFF0, s25;
	s22 =	sxor.u32 $0x8FF0, s25;
	(pc) =	sbr.rel @!p1 .LBB2_5-.Ltmp0, $4  }
0x12: {  	s5 =	sxor.u32 $0x4FF0, s25;
	s29 =	sadd.s32 $0x1800, s31;
	[dreg:$0x5] =	wrdreg s21  }
0x13: {  	s30 =	sadd.s32 $0x1A00, s31;
	s6 =	sadd.s32 $0x1E00, s31;
	[dreg:$0x7] =	wrdreg s23  }
0x14: {  	[dreg:$0x9] =	wrdreg s26;
	s21 =	sadd.s32 $0x1400, s31;
	s23 =	sadd.s32 $0x1600, s31  }
0x15: {  	s26 =	sxor.u32 $0x2FF0, s25;
	s0 =	sadd.s32 $0xFFFFFFFF, s1;
	s25 =	sadd.s32 $0x1C00, s31  }
0x16: {  	[dreg:$0xd] =	wrdreg s0  }
0x17: {  	s1 =	rddreg [dreg:$0x3]  }
0x18: {  	[tilespmem:s2], [sflag:$0x2] =	stream.linear.gather [hbm4b:s1+s2], $0x10000, $0x38;
	[tilespmem:$0x10000] =	vst v63  }
0x19: {  	_ =	swait.ge [sflag:s7], $0x10000  }
0x1a: {  	s1 =	rddreg [dreg:$0x5]  }
0x1b: {  	s0 =	rddreg [dreg:$0x8]  }
0x1c: {  	[dreg:$0xe] =	wrdreg s1  }
0x1d: {  	s1 =	rddreg [dreg:$0x4]  }
0x1e: {  	[sflag:s7] =	ssyncset.done $0x0;
	[dreg:$0xf] =	wrdreg s0  }
0x1f: {  	[sflag:s7] =	ssyncadd.s32 $0xFFFF0000;
	s0 =	rddreg [dreg:$0x6]  }
0x20: {  	[hbm4b:s31+s2] =	stream.linear.scatter [tilespmem:s1], [sflag:$0x1], $0x1000, $0x38;
	[tilespmem:$0x10000] =	vst v63  }
0x21: {  	s1 =	rddreg [dreg:$0x7]  }
0x22: {  	s7 =	rddreg [dreg:$0xe]  }
0x23: {  	[hbm4b:s7+s2] =	stream.linear.scatter [tilespmem:s0], [sflag:$0x1], $0x1000, $0x38;
	[tilespmem:$0x10000] =	vst v63  }
0x24: {  	s7 =	rddreg [dreg:$0xf]  }
0x25: {  	[hbm4b:s1+s2] =	stream.linear.scatter [tilespmem:s7], [sflag:$0x1], $0x1000, $0x38;
	[tilespmem:$0x10000] =	vst v63  }
0x26: {  	s0 =	rddreg [dreg:$0x9]  }
0x27: {  	[hbm4b:s0+s2] =	stream.linear.scatter [tilespmem:s4], [sflag:$0x1], $0x1000, $0x38;
	[tilespmem:$0x10000] =	vst v63  }
0x28: {  	_ = 	snop  }
0x29: {  	[hbm4b:s9+s2] =	stream.linear.scatter [tilespmem:s8], [sflag:$0x1], $0x1000, $0x38;
	[tilespmem:$0x10000] =	vst v63  }
0x2a: {  	_ = 	snop  }
0x2b: {  	[hbm4b:s11+s2] =	stream.linear.scatter [tilespmem:s10], [sflag:$0x1], $0x1000, $0x38;
	[tilespmem:$0x10000] =	vst v63  }
0x2c: {  	_ = 	snop  }
0x2d: {  	[hbm4b:s13+s2] =	stream.linear.scatter [tilespmem:s12], [sflag:$0x1], $0x1000, $0x38;
	[tilespmem:$0x10000] =	vst v63  }
0x2e: {  	_ = 	snop  }
0x2f: {  	[hbm4b:s15+s2] =	stream.linear.scatter [tilespmem:s14], [sflag:$0x1], $0x1000, $0x38;
	[tilespmem:$0x10000] =	vst v63  }
0x30: {  	_ = 	snop  }
0x31: {  	[hbm4b:s17+s2] =	stream.linear.scatter [tilespmem:s16], [sflag:$0x1], $0x1000, $0x38;
	[tilespmem:$0x10000] =	vst v63  }
0x32: {  	_ = 	snop  }
0x33: {  	[hbm4b:s19+s2] =	stream.linear.scatter [tilespmem:s18], [sflag:$0x1], $0x1000, $0x38;
	[tilespmem:$0x10000] =	vst v63  }
0x34: {  	_ = 	snop  }
0x35: {  	[hbm4b:s21+s2] =	stream.linear.scatter [tilespmem:s20], [sflag:$0x1], $0x1000, $0x38;
	[tilespmem:$0x10000] =	vst v63  }
0x36: {  	_ = 	snop  }
0x37: {  	[hbm4b:s23+s2] =	stream.linear.scatter [tilespmem:s22], [sflag:$0x1], $0x1000, $0x38;
	[tilespmem:$0x10000] =	vst v63  }
0x38: {  	_ = 	snop  }
0x39: {  	[hbm4b:s29+s2] =	stream.linear.scatter [tilespmem:s24], [sflag:$0x1], $0x1000, $0x38;
	[tilespmem:$0x10000] =	vst v63  }
0x3a: {  	_ = 	snop  }
0x3b: {  	[hbm4b:s30+s2] =	stream.linear.scatter [tilespmem:s5], [sflag:$0x1], $0x1000, $0x38;
	[tilespmem:$0x10000] =	vst v63  }
0x3c: {  	_ = 	snop  }
0x3d: {  	[hbm4b:s25+s2] =	stream.linear.scatter [tilespmem:s26], [sflag:$0x1], $0x1000, $0x38;
	[tilespmem:$0x10000] =	vst v63  }
0x3e: {  	_ = 	snop  }
0x3f: {  	[hbm4b:s6+s2] =	stream.linear.scatter [tilespmem:s28], [sflag:$0x1], $0x1000, $0x38;
	[tilespmem:$0x10000] =	vst v63  }
0x40: {  	_ =	swait.ge [sflag:s3], $0x1000  }
0x41: {  	[sflag:s3] =	ssyncset.done $0x0  }
0x42: {  	[sflag:s3] =	ssyncadd.s32 $0xFFFFF000  }
0x43: {  	_ =	swait.ge [sflag:s3], $0x1000  }
0x44: {  	[sflag:s3] =	ssyncset.done $0x0  }
0x45: {  	[sflag:s3] =	ssyncadd.s32 $0xFFFFF000  }
0x46: {  	_ =	swait.ge [sflag:s3], $0x1000  }
0x47: {  	[sflag:s3] =	ssyncset.done $0x0  }
0x48: {  	[sflag:s3] =	ssyncadd.s32 $0xFFFFF000  }
0x49: {  	_ =	swait.ge [sflag:s3], $0x1000  }
0x4a: {  	[sflag:s3] =	ssyncset.done $0x0  }
0x4b: {  	[sflag:s3] =	ssyncadd.s32 $0xFFFFF000  }
0x4c: {  	_ =	swait.ge [sflag:s3], $0x1000  }
0x4d: {  	[sflag:s3] =	ssyncset.done $0x0  }
0x4e: {  	[sflag:s3] =	ssyncadd.s32 $0xFFFFF000  }
0x4f: {  	_ =	swait.ge [sflag:s3], $0x1000  }
0x50: {  	[sflag:s3] =	ssyncset.done $0x0  }
0x51: {  	[sflag:s3] =	ssyncadd.s32 $0xFFFFF000  }
0x52: {  	_ =	swait.ge [sflag:s3], $0x1000  }
0x53: {  	[sflag:s3] =	ssyncset.done $0x0  }
0x54: {  	[sflag:s3] =	ssyncadd.s32 $0xFFFFF000  }
0x55: {  	_ =	swait.ge [sflag:s3], $0x1000  }
0x56: {  	[sflag:s3] =	ssyncset.done $0x0  }
0x57: {  	[sflag:s3] =	ssyncadd.s32 $0xFFFFF000  }
0x58: {  	_ =	swait.ge [sflag:s3], $0x1000  }
0x59: {  	[sflag:s3] =	ssyncset.done $0x0  }
0x5a: {  	[sflag:s3] =	ssyncadd.s32 $0xFFFFF000  }
0x5b: {  	_ =	swait.ge [sflag:s3], $0x1000  }
0x5c: {  	[sflag:s3] =	ssyncset.done $0x0  }
0x5d: {  	[sflag:s3] =	ssyncadd.s32 $0xFFFFF000  }
0x5e: {  	_ =	swait.ge [sflag:s3], $0x1000  }
0x5f: {  	[sflag:s3] =	ssyncset.done $0x0  }
0x60: {  	[sflag:s3] =	ssyncadd.s32 $0xFFFFF000  }
0x61: {  	_ =	swait.ge [sflag:s3], $0x1000  }
0x62: {  	[sflag:s3] =	ssyncset.done $0x0  }
0x63: {  	[sflag:s3] =	ssyncadd.s32 $0xFFFFF000  }
0x64: {  	_ =	swait.ge [sflag:s3], $0x1000  }
0x65: {  	[sflag:s3] =	ssyncset.done $0x0  }
0x66: {  	[sflag:s3] =	ssyncadd.s32 $0xFFFFF000  }
0x67: {  	_ =	swait.ge [sflag:s3], $0x1000  }
0x68: {  	[sflag:s3] =	ssyncset.done $0x0  }
0x69: {  	[sflag:s3] =	ssyncadd.s32 $0xFFFFF000  }
0x6a: {  	_ =	swait.ge [sflag:s3], $0x1000  }
0x6b: {  	s7 =	rddreg [dreg:$0xd]  }
0x6c: {  	p1 =	sne.s32 s7, $0x1  }
.Ltmp1:
0x6d: {  	_ = 	snop;
	(pc) =	sbr.rel @!p1 .LBB2_6-.Ltmp1, $4  }
0x6e: {  	_ = 	snop  }
0x6f: {  	[dreg:$0xb] =	wrdreg s31  }
0x70: {  	p0 =	por $0x1, $0x1;
	[dreg:$0xa] =	wrdreg s6;
	[sflag:s3] =	ssyncset.done $0x0  }
0x71: {  	[dreg:$0xc] =	wrdreg s25;
	s7 =	sadd.s32 $0xFFFFFFFF, s7;
	[sflag:s3] =	ssyncadd.s32 $0xFFFFF000  }
0x72: {  	s1 =	simm.s32 $0x0  }
.LBB2_3:
0x73: {  	_ =	swait.ge [sflag:s3], $0x1000;
	s6 =	simm.s32 $0x2  }
0x74: {  	s25 =	smov.u32 s24;
	s24 =	smov.u32 s23;
	s23 =	smov.u32 s22  }
0x75: {  	s22 =	smov.u32 s21;
	s21 =	smov.u32 s20;
	s20 =	smov.u32 s19  }
0x76: {  	s19 =	smov.u32 s18;
	s18 =	smov.u32 s17;
	s17 =	smov.u32 s16  }
0x77: {  	s16 =	smov.u32 s15;
	s15 =	smov.u32 s14;
	[sflag:s3] =	ssyncset.done $0x0  }
0x78: {  	s14 =	smov.u32 s13;
	s0 =	rddreg [dreg:$0x3];
	[sflag:s3] =	ssyncadd.s32 $0xFFFFF000  }
0x79: {  	[tilespmem:s2], [sflag:$0x2] =	stream.linear.gather [hbm4b:s0+s2], $0x10000, $0x38;
	[tilespmem:$0x10000] =	vst v63  }
0x7a: {  	s13 =	smov.u32 s12;
	s12 =	smov.u32 s11;
	_ =	swait.ge [sflag:s6], $0x10000  }
0x7b: {  	s11 =	smov.u32 s10;
	s10 =	smov.u32 s9;
	s0 =	rddreg [dreg:$0x5]  }
0x7c: {  	s9 =	smov.u32 s8;
	s8 =	smov.u32 s4;
	s4 =	rddreg [dreg:$0x4]  }
0x7d: {  	[sflag:s6] =	ssyncset.done $0x0;
	s31 =	rddreg [dreg:$0x8]  }
0x7e: {  	s2 =	rddreg [dreg:$0xb];
	[sflag:s6] =	ssyncadd.s32 $0xFFFF0000  }
0x7f: {  	[hbm4b:s2+s1] =	stream.linear.scatter [tilespmem:s4], [sflag:$0x1], $0x1000, $0x38;
	[tilespmem:$0x10000] =	vst v63  }
0x80: {  	s6 =	rddreg [dreg:$0x6]  }
0x81: {  	[hbm4b:s0+s1] =	stream.linear.scatter [tilespmem:s6], [sflag:$0x1], $0x1000, $0x38;
	[tilespmem:$0x10000] =	vst v63  }
0x82: {  	s2 =	rddreg [dreg:$0x7]  }
0x83: {  	[hbm4b:s2+s1] =	stream.linear.scatter [tilespmem:s31], [sflag:$0x1], $0x1000, $0x38;
	[tilespmem:$0x10000] =	vst v63  }
0x84: {  	s4 =	smov.u32 s8;
	s0 =	rddreg [dreg:$0x9];
	s2 =	simm.s32 $0x0  }
0x85: {  	[hbm4b:s0+s2] =	stream.linear.scatter [tilespmem:s4], [sflag:$0x1], $0x1000, $0x38;
	[tilespmem:$0x10000] =	vst v63  }
0x86: {  	s8 =	smov.u32 s9;
	s9 =	smov.u32 s10  }
0x87: {  	[hbm4b:s9+s2] =	stream.linear.scatter [tilespmem:s8], [sflag:$0x1], $0x1000, $0x38;
	[tilespmem:$0x10000] =	vst v63  }
0x88: {  	s10 =	smov.u32 s11;
	s11 =	smov.u32 s12  }
0x89: {  	[hbm4b:s11+s2] =	stream.linear.scatter [tilespmem:s10], [sflag:$0x1], $0x1000, $0x38;
	[tilespmem:$0x10000] =	vst v63  }
0x8a: {  	s12 =	smov.u32 s13;
	s13 =	smov.u32 s14  }
0x8b: {  	[hbm4b:s13+s2] =	stream.linear.scatter [tilespmem:s12], [sflag:$0x1], $0x1000, $0x38;
	[tilespmem:$0x10000] =	vst v63  }
0x8c: {  	s14 =	smov.u32 s15;
	s15 =	smov.u32 s16  }
0x8d: {  	[hbm4b:s15+s2] =	stream.linear.scatter [tilespmem:s14], [sflag:$0x1], $0x1000, $0x38;
	[tilespmem:$0x10000] =	vst v63  }
0x8e: {  	s16 =	smov.u32 s17;
	s17 =	smov.u32 s18  }
0x8f: {  	[hbm4b:s17+s2] =	stream.linear.scatter [tilespmem:s16], [sflag:$0x1], $0x1000, $0x38;
	[tilespmem:$0x10000] =	vst v63  }
0x90: {  	s18 =	smov.u32 s19;
	s19 =	smov.u32 s20  }
0x91: {  	[hbm4b:s19+s2] =	stream.linear.scatter [tilespmem:s18], [sflag:$0x1], $0x1000, $0x38;
	[tilespmem:$0x10000] =	vst v63  }
0x92: {  	s20 =	smov.u32 s21;
	s21 =	smov.u32 s22  }
0x93: {  	[hbm4b:s21+s2] =	stream.linear.scatter [tilespmem:s20], [sflag:$0x1], $0x1000, $0x38;
	[tilespmem:$0x10000] =	vst v63  }
0x94: {  	s22 =	smov.u32 s23;
	s23 =	smov.u32 s24  }
0x95: {  	[hbm4b:s23+s2] =	stream.linear.scatter [tilespmem:s22], [sflag:$0x1], $0x1000, $0x38;
	[tilespmem:$0x10000] =	vst v63  }
0x96: {  	s24 =	smov.u32 s25  }
0x97: {  	[hbm4b:s29+s2] =	stream.linear.scatter [tilespmem:s24], [sflag:$0x1], $0x1000, $0x38;
	[tilespmem:$0x10000] =	vst v63  }
0x98: {  	_ = 	snop  }
0x99: {  	[hbm4b:s30+s2] =	stream.linear.scatter [tilespmem:s5], [sflag:$0x1], $0x1000, $0x38;
	[tilespmem:$0x10000] =	vst v63  }
0x9a: {  	s25 =	rddreg [dreg:$0xc]  }
0x9b: {  	[hbm4b:s25+s2] =	stream.linear.scatter [tilespmem:s26], [sflag:$0x1], $0x1000, $0x38;
	[tilespmem:$0x10000] =	vst v63  }
0x9c: {  	s6 =	rddreg [dreg:$0xa]  }
0x9d: {  	[hbm4b:s6+s2] =	stream.linear.scatter [tilespmem:s28], [sflag:$0x1], $0x1000, $0x38;
	[tilespmem:$0x10000] =	vst v63  }
0x9e: {  	_ =	swait.ge [sflag:s3], $0x1000  }
0x9f: {  	[sflag:s3] =	ssyncset.done $0x0  }
0xa0: {  	[sflag:s3] =	ssyncadd.s32 $0xFFFFF000  }
0xa1: {  	_ =	swait.ge [sflag:s3], $0x1000  }
0xa2: {  	[sflag:s3] =	ssyncset.done $0x0  }
0xa3: {  	[sflag:s3] =	ssyncadd.s32 $0xFFFFF000  }
0xa4: {  	_ =	swait.ge [sflag:s3], $0x1000  }
0xa5: {  	[sflag:s3] =	ssyncset.done $0x0  }
0xa6: {  	[sflag:s3] =	ssyncadd.s32 $0xFFFFF000  }
0xa7: {  	_ =	swait.ge [sflag:s3], $0x1000  }
0xa8: {  	[sflag:s3] =	ssyncset.done $0x0  }
0xa9: {  	[sflag:s3] =	ssyncadd.s32 $0xFFFFF000  }
0xaa: {  	_ =	swait.ge [sflag:s3], $0x1000  }
0xab: {  	[sflag:s3] =	ssyncset.done $0x0  }
0xac: {  	[sflag:s3] =	ssyncadd.s32 $0xFFFFF000  }
0xad: {  	_ =	swait.ge [sflag:s3], $0x1000  }
0xae: {  	[sflag:s3] =	ssyncset.done $0x0  }
0xaf: {  	[sflag:s3] =	ssyncadd.s32 $0xFFFFF000  }
0xb0: {  	_ =	swait.ge [sflag:s3], $0x1000  }
0xb1: {  	[sflag:s3] =	ssyncset.done $0x0  }
0xb2: {  	[sflag:s3] =	ssyncadd.s32 $0xFFFFF000  }
0xb3: {  	_ =	swait.ge [sflag:s3], $0x1000  }
0xb4: {  	[sflag:s3] =	ssyncset.done $0x0  }
0xb5: {  	[sflag:s3] =	ssyncadd.s32 $0xFFFFF000  }
0xb6: {  	_ =	swait.ge [sflag:s3], $0x1000  }
0xb7: {  	[sflag:s3] =	ssyncset.done $0x0  }
0xb8: {  	[sflag:s3] =	ssyncadd.s32 $0xFFFFF000  }
0xb9: {  	_ =	swait.ge [sflag:s3], $0x1000  }
0xba: {  	[sflag:s3] =	ssyncset.done $0x0  }
0xbb: {  	[sflag:s3] =	ssyncadd.s32 $0xFFFFF000  }
0xbc: {  	_ =	swait.ge [sflag:s3], $0x1000  }
0xbd: {  	[sflag:s3] =	ssyncset.done $0x0  }
0xbe: {  	[sflag:s3] =	ssyncadd.s32 $0xFFFFF000  }
0xbf: {  	_ =	swait.ge [sflag:s3], $0x1000  }
0xc0: {  	[sflag:s3] =	ssyncset.done $0x0  }
0xc1: {  	[sflag:s3] =	ssyncadd.s32 $0xFFFFF000  }
0xc2: {  	_ =	swait.ge [sflag:s3], $0x1000  }
0xc3: {  	[sflag:s3] =	ssyncset.done $0x0  }
0xc4: {  	[sflag:s3] =	ssyncadd.s32 $0xFFFFF000  }
0xc5: {  	p1 =	sne.s32 s7, $0x1;
	_ =	swait.ge [sflag:s3], $0x1000  }
.Ltmp2:
0xc6: {  	[sflag:s3] =	ssyncset.done $0x0;
	(pc) =	sbr.rel @p1 .LBB2_3-.Ltmp2, $4  }
0xc7: {  	[sflag:s3] =	ssyncadd.s32 $0xFFFFF000  }
0xc8: {  	_ =	swait.ge [sflag:s3], $0x1000  }
0xc9: {  	[sflag:s3] =	ssyncset.done $0x0  }
0xca: {  	s7 =	sadd.s32 $0xFFFFFFFF, s7;
	[sflag:s3] =	ssyncadd.s32 $0xFFFFF000  }
0xcb: {  	s31 =	rddreg [dreg:$0xb];
	s7 =	simm.s32 $0x2  }
.LBB2_5:
0xcc: {  	_ =	swait.ge @p0 [sflag:s3], $0x1000  }
0xcd: {  	[sflag:s3] =	ssyncset.done @p0 $0x0  }
0xce: {  	s0 =	rddreg [dreg:$0x3];
	[sflag:s3] =	ssyncadd.s32 @p0 $0xFFFFF000  }
0xcf: {  	[tilespmem:s2], [sflag:$0x2] =	stream.linear.gather [hbm4b:s0+s2], $0x10000, $0x38;
	[tilespmem:$0x10000] =	vst v63  }
0xd0: {  	_ =	swait.ge [sflag:s7], $0x10000  }
0xd1: {  	s1 =	rddreg [dreg:$0x4]  }
0xd2: {  	[sflag:s7] =	ssyncset.done $0x0;
	s0 =	rddreg [dreg:$0x5]  }
0xd3: {  	[sflag:s7] =	ssyncadd.s32 $0xFFFF0000;
	s7 =	smov.u32 s4;
	s4 =	rddreg [dreg:$0x8]  }
0xd4: {  	[hbm4b:s31+s2] =	stream.linear.scatter [tilespmem:s1], [sflag:$0x1], $0x1000, $0x38;
	[tilespmem:$0x10000] =	vst v63  }
0xd5: {  	s1 =	rddreg [dreg:$0x6];
	s2 =	simm.s32 $0x0  }
0xd6: {  	[hbm4b:s0+s2] =	stream.linear.scatter [tilespmem:s1], [sflag:$0x1], $0x1000, $0x38;
	[tilespmem:$0x10000] =	vst v63  }
0xd7: {  	s31 =	smov.u32 s25;
	s25 =	smov.u32 s5;
	s5 =	rddreg [dreg:$0x7]  }
0xd8: {  	[hbm4b:s5+s2] =	stream.linear.scatter [tilespmem:s4], [sflag:$0x1], $0x1000, $0x38;
	[tilespmem:$0x10000] =	vst v63  }
0xd9: {  	s1 =	rddreg [dreg:$0x9]  }
0xda: {  	[hbm4b:s1+s2] =	stream.linear.scatter [tilespmem:s7], [sflag:$0x1], $0x1000, $0x38;
	[tilespmem:$0x10000] =	vst v63  }
0xdb: {  	_ = 	snop  }
0xdc: {  	[hbm4b:s9+s2] =	stream.linear.scatter [tilespmem:s8], [sflag:$0x1], $0x1000, $0x38;
	[tilespmem:$0x10000] =	vst v63  }
0xdd: {  	_ = 	snop  }
0xde: {  	[hbm4b:s11+s2] =	stream.linear.scatter [tilespmem:s10], [sflag:$0x1], $0x1000, $0x38;
	[tilespmem:$0x10000] =	vst v63  }
0xdf: {  	_ = 	snop  }
0xe0: {  	[hbm4b:s13+s2] =	stream.linear.scatter [tilespmem:s12], [sflag:$0x1], $0x1000, $0x38;
	[tilespmem:$0x10000] =	vst v63  }
0xe1: {  	_ = 	snop  }
0xe2: {  	[hbm4b:s15+s2] =	stream.linear.scatter [tilespmem:s14], [sflag:$0x1], $0x1000, $0x38;
	[tilespmem:$0x10000] =	vst v63  }
0xe3: {  	_ = 	snop  }
0xe4: {  	[hbm4b:s17+s2] =	stream.linear.scatter [tilespmem:s16], [sflag:$0x1], $0x1000, $0x38;
	[tilespmem:$0x10000] =	vst v63  }
0xe5: {  	_ = 	snop  }
0xe6: {  	[hbm4b:s19+s2] =	stream.linear.scatter [tilespmem:s18], [sflag:$0x1], $0x1000, $0x38;
	[tilespmem:$0x10000] =	vst v63  }
0xe7: {  	_ = 	snop  }
0xe8: {  	[hbm4b:s21+s2] =	stream.linear.scatter [tilespmem:s20], [sflag:$0x1], $0x1000, $0x38;
	[tilespmem:$0x10000] =	vst v63  }
0xe9: {  	_ = 	snop  }
0xea: {  	[hbm4b:s23+s2] =	stream.linear.scatter [tilespmem:s22], [sflag:$0x1], $0x1000, $0x38;
	[tilespmem:$0x10000] =	vst v63  }
0xeb: {  	_ = 	snop  }
0xec: {  	[hbm4b:s29+s2] =	stream.linear.scatter [tilespmem:s24], [sflag:$0x1], $0x1000, $0x38;
	[tilespmem:$0x10000] =	vst v63  }
0xed: {  	_ = 	snop  }
0xee: {  	[hbm4b:s30+s2] =	stream.linear.scatter [tilespmem:s25], [sflag:$0x1], $0x1000, $0x38;
	[tilespmem:$0x10000] =	vst v63  }
0xef: {  	_ = 	snop  }
0xf0: {  	[hbm4b:s31+s2] =	stream.linear.scatter [tilespmem:s26], [sflag:$0x1], $0x1000, $0x38;
	[tilespmem:$0x10000] =	vst v63  }
0xf1: {  	_ = 	snop  }
0xf2: {  	[hbm4b:s6+s2] =	stream.linear.scatter [tilespmem:s28], [sflag:$0x1], $0x1000, $0x38;
	[tilespmem:$0x10000] =	vst v63  }
0xf3: {  	_ =	swait.ge [sflag:s3], $0x1000  }
0xf4: {  	[sflag:s3] =	ssyncset.done $0x0  }
0xf5: {  	[sflag:s3] =	ssyncadd.s32 $0xFFFFF000  }
0xf6: {  	_ =	swait.ge [sflag:s3], $0x1000  }
0xf7: {  	[sflag:s3] =	ssyncset.done $0x0  }
0xf8: {  	[sflag:s3] =	ssyncadd.s32 $0xFFFFF000  }
0xf9: {  	_ =	swait.ge [sflag:s3], $0x1000  }
0xfa: {  	[sflag:s3] =	ssyncset.done $0x0  }
0xfb: {  	[sflag:s3] =	ssyncadd.s32 $0xFFFFF000  }
0xfc: {  	_ =	swait.ge [sflag:s3], $0x1000  }
0xfd: {  	[sflag:s3] =	ssyncset.done $0x0  }
0xfe: {  	[sflag:s3] =	ssyncadd.s32 $0xFFFFF000  }
0xff: {  	_ =	swait.ge [sflag:s3], $0x1000  }
0x100: {  	[sflag:s3] =	ssyncset.done $0x0  }
0x101: {  	[sflag:s3] =	ssyncadd.s32 $0xFFFFF000  }
0x102: {  	_ =	swait.ge [sflag:s3], $0x1000  }
0x103: {  	[sflag:s3] =	ssyncset.done $0x0  }
0x104: {  	[sflag:s3] =	ssyncadd.s32 $0xFFFFF000  }
0x105: {  	_ =	swait.ge [sflag:s3], $0x1000  }
0x106: {  	[sflag:s3] =	ssyncset.done $0x0  }
0x107: {  	[sflag:s3] =	ssyncadd.s32 $0xFFFFF000  }
0x108: {  	_ =	swait.ge [sflag:s3], $0x1000  }
0x109: {  	[sflag:s3] =	ssyncset.done $0x0  }
0x10a: {  	[sflag:s3] =	ssyncadd.s32 $0xFFFFF000  }
0x10b: {  	_ =	swait.ge [sflag:s3], $0x1000  }
0x10c: {  	[sflag:s3] =	ssyncset.done $0x0  }
0x10d: {  	[sflag:s3] =	ssyncadd.s32 $0xFFFFF000  }
0x10e: {  	_ =	swait.ge [sflag:s3], $0x1000  }
0x10f: {  	[sflag:s3] =	ssyncset.done $0x0  }
0x110: {  	[sflag:s3] =	ssyncadd.s32 $0xFFFFF000  }
0x111: {  	_ =	swait.ge [sflag:s3], $0x1000  }
0x112: {  	[sflag:s3] =	ssyncset.done $0x0  }
0x113: {  	[sflag:s3] =	ssyncadd.s32 $0xFFFFF000  }
0x114: {  	_ =	swait.ge [sflag:s3], $0x1000  }
0x115: {  	[sflag:s3] =	ssyncset.done $0x0  }
0x116: {  	[sflag:s3] =	ssyncadd.s32 $0xFFFFF000  }
0x117: {  	_ =	swait.ge [sflag:s3], $0x1000  }
0x118: {  	[sflag:s3] =	ssyncset.done $0x0  }
0x119: {  	[sflag:s3] =	ssyncadd.s32 $0xFFFFF000  }
0x11a: {  	_ =	swait.ge [sflag:s3], $0x1000  }
0x11b: {  	[sflag:s3] =	ssyncset.done $0x0  }
0x11c: {  	[sflag:s3] =	ssyncadd.s32 $0xFFFFF000  }
0x11d: {  	_ =	swait.ge [sflag:s3], $0x1000  }
0x11e: {  	[sflag:s3] =	ssyncset.done $0x0  }
0x11f: {  	[sflag:s3] =	ssyncadd.s32 $0xFFFFF000  }
0x120: {  	_ =	swait.ge [sflag:s3], $0x1000  }
0x121: {  	[sflag:s3] =	ssyncset.done $0x0  }
0x122: {  	[sflag:s3] =	ssyncadd.s32 $0xFFFFF000  }
0x123: {  	_ =	sfence.sel $0x180000  }
0x124: {  	[bflag:$0x0] =	sbarrier.arrive $0xFFFF  }
0x125: {  	_ =	strace $0x90000047  }
0x126: {  	s31 =	stileid.u32;
	[bflag:$0x2] =	sbarrier.arrive $0xFFFF  }
0x127: {  	p0 =	sne.s32 s31, $0x0;
	s0 =	rddreg [dreg:$0x2]  }
0x128: {  	s0 =	sadd.s32 @!p0 $0x100000, s0  }
0x129: {  	[sflag:s0] =	ssyncadd.tile.s32 @!p0 $0x1;
	_ =	shalt  }
.LBB2_6:
.Ltmp3:
0x12a: {  	(pc) =	sbr.rel .LBB2_5-.Ltmp3, $2  }
0x12b: {  	_ =	sdelay $0x2  }
0x12c: {  	s31 =	rddreg [dreg:$0xb];
	s7 =	simm.s32 $0x2  }
.Lfunc_end2:
_tile_overlayer_lowered:
.L_overlay_start_2:
0x12d: {  	(tag) =	ssettag $0x2  }
0x12e: {  	s0 =	rddreg [dreg:$0x0];
	s2 =	stileid.u32  }
0x12f: {  	s1 =	rddreg [dreg:$0x1];
	p0 =	sne.s32 s2, $0x0  }
0x130: {  	s3 =	rddreg [dreg:$0x2];
	[bflag:$0x3] =	sbarrier.arrive $0xFFFF;
	s2 =	simm.s32 @!p0 $0x1C02  }
0x131: {  	[timem:s3], [sflag:s2] =	dma.local @!p0 [hbm:s0], s1  }
0x132: {  	s0 =	simm.s32 @!p0 $0x2  }
0x133: {  	_ =	swait.ge @!p0 [sflag:s0], s1  }
0x134: {  	s1 =	ssub.s32 @!p0 $0x0, s1;
	[sflag:s0] =	ssyncset.done @!p0 $0x0  }
0x135: {  	[sflag:s0] =	ssyncadd.s32 @!p0 s1  }
0x136: {  	[bflag:$0x3] =	sbarrier.arrive $0xFFFF  }
0x137: {  	_ =	shalt  }

</sc_bundles>
